<compile_context>
chip_gen: v7x
topology: tpu7x:2x2x1
jax: 0.10.2.dev20260603
libtpu: 0.0.44.dev20260713+nightly
codegen_flags: <defaults>
</compile_context>

<pallas_src>
import functools

import jax
import jax.numpy as jnp
from jax import lax
from jax.experimental import pallas as pl
from jax.experimental.pallas import tpu as pltpu
from jax.experimental.pallas import tpu_sc as plsc

NUM_NODES = 100000
VOCAB = 119
EMB_DIM = 128

NC = 2
NS = 16
NW = NC * NS

CB = 3200
SUB = 320
NSUB = CB // SUB
NBUF = 3


def _emb_body(idx_hbm, table_hbm, out1_hbm, out2_hbm, idx_v, rows_v, table_sh,
              gsems, ssems):
    sid = lax.axis_index("s")
    wid = sid * NC + lax.axis_index("c")
    base = pl.multiple_of(jnp.minimum(wid * CB, NUM_NODES - CB), 8)

    @pl.when(sid == 0)
    def _():
        pltpu.sync_copy(table_hbm, table_sh)

    pltpu.sync_copy(idx_hbm.at[pl.ds(base, CB)], idx_v)
    plsc.subcore_barrier()

    def gather(j, b):
        return pltpu.make_async_copy(
            table_sh.at[idx_v.at[pl.ds(j * SUB, SUB)]], rows_v.at[b], gsems.at[b]
        )

    def scatters(j, b):
        return [
            pltpu.make_async_copy(
                rows_v.at[b], out.at[pl.ds(base + j * SUB, SUB)], ssems.at[b]
            )
            for out in (out1_hbm, out2_hbm)
        ]

    gather(0, 0).start()
    for j in range(NSUB):
        b = j % NBUF
        gather(j, b).wait()
        if j + 1 < NSUB:
            nb = (j + 1) % NBUF
            if j + 1 >= NBUF:
                for cp in scatters(j + 1 - NBUF, nb):
                    cp.wait()
            gather(j + 1, nb).start()
        for cp in scatters(j, b):
            cp.start()
    for j in range(max(0, NSUB - NBUF), NSUB):
        for cp in scatters(j, j % NBUF):
            cp.wait()


@functools.partial(jax.jit, static_argnums=())
def _emb_lookup(atomic_numbers, emb_table):
    mesh = plsc.VectorSubcoreMesh(core_axis_name="c", subcore_axis_name="s")
    fn = functools.partial(
        pl.kernel,
        mesh=mesh,
        out_type=(
            jax.ShapeDtypeStruct((NUM_NODES, EMB_DIM), jnp.float32),
            jax.ShapeDtypeStruct((NUM_NODES, EMB_DIM), jnp.float32),
        ),
        scratch_types=[
            pltpu.VMEM((CB,), jnp.int32),
            pltpu.VMEM((NBUF, SUB, EMB_DIM), jnp.float32),
            pltpu.VMEM_SHARED((VOCAB, EMB_DIM), jnp.float32),
            pltpu.SemaphoreType.DMA((NBUF,)),
            pltpu.SemaphoreType.DMA((NBUF,)),
        ],
    )(_emb_body)
    return fn(atomic_numbers, emb_table)


def kernel(atomic_numbers, emb_table):
    out1, out2 = _emb_lookup(atomic_numbers.astype(jnp.int32), emb_table)
    return (out1, out2)

# --- scband reference (transcript-rebuilt; emitter-appended) ---
"""Pipeline reference for scband-embedding-block-q-69406671503704 (READ-ONLY COPY).

The authoritative reference and input builder live on the scoring server;
editing this copy changes nothing except your own understanding.
"""

import jax, jax.numpy as jnp
import numpy as np

NUM_NODES = 100000
VOCAB = 119
EMB_DIM = 128

def setup_inputs(seed: int = 0) -> dict:
    key = jax.random.key(seed)
    k1, k2 = jax.random.split(key)
    atomic_numbers = jax.random.randint(k1, (NUM_NODES,), 0, VOCAB, dtype=jnp.int64 if jax.config.jax_enable_x64 else jnp.int32)
    emb_table = jax.random.normal(k2, (VOCAB, EMB_DIM), dtype=jnp.float32)
    return {"atomic_numbers": atomic_numbers, "emb_table": emb_table}

def reference(atomic_numbers, emb_table):
    # Embedding_block_q with apply_charge_doping=False:
    #   node_attrs = self.emb(type_numbers)
    #   data[NODE_ATTRS_KEY] = node_attrs
    #   data[NODE_FEATURES_KEY] = node_attrs  (set_features=True)
    node_attrs = jnp.take(emb_table, atomic_numbers, axis=0)
    node_features = node_attrs
    return (node_attrs, node_features)

if __name__ == "__main__":
    import jax
    _d = setup_inputs()
    print(jax.jit(kernel)(*tuple(_d.values())))

</pallas_src>

<mosaic_0001>
#map = affine_map<(d0, d1) -> (0)>
#map1 = affine_map<(d0, d1) -> (0, 0)>
module attributes {stable_mosaic.version = 14 : i64} {
  func.func @_emb_body(%arg0: i32, %arg1: i32, %arg2: memref<100000xi32, #tpu.memory_space<hbm>>, %arg3: memref<119x128xf32, #tpu.memory_space<hbm>>, %arg4: memref<100000x128xf32, #tpu.memory_space<hbm>>, %arg5: memref<100000x128xf32, #tpu.memory_space<hbm>>, %arg6: memref<3200xi32, #tpu.memory_space<vmem>>, %arg7: memref<3x320x128xf32, #tpu.memory_space<vmem>>, %arg8: memref<119x128xf32, #tpu.memory_space<vmem_shared>>, %arg9: memref<3x!tpu.dma_semaphore, #tpu.memory_space<semaphore_mem>>, %arg10: memref<3x!tpu.dma_semaphore, #tpu.memory_space<semaphore_mem>>) attributes {dimension_semantics = [#tpu.dimension_semantics<core_parallel>, #tpu.dimension_semantics<subcore_parallel>], iteration_bounds = array<i64: 2, 16>, scalar_prefetch = 0 : i64, scratch_operands = 5 : i64, tpu.core_type = #tpu.core_type<sc_vector_subcore>, window_params = [{transform_indices = #map}, {transform_indices = #map1}, {transform_indices = #map1}, {transform_indices = #map1}]} {
    %mul3A = arith.constant 2 : i32
    %mul3A_0 = arith.muli %arg1, %mul3A : i32
    %add3A = arith.addi %mul3A_0, %arg0 : i32
    %mul3A_1 = arith.constant 3200 : i32
    %mul3A_2 = arith.muli %add3A, %mul3A_1 : i32
    %min3A = arith.constant 96800 : i32
    %min3A_3 = arith.minsi %mul3A_2, %min3A : i32
    %multiple_of3A = tpu.assume_multiple %min3A_3, 8 : i32
    %eq3A = arith.constant 0 : i32
    %eq3A_4 = arith.cmpi eq, %arg1, %eq3A : i32
    %convert_element_type3A = arith.extui %eq3A_4 : i1 to i32
    %cond3A = arith.constant 0 : i32
    %cond3A_5 = arith.cmpi ne, %convert_element_type3A, %cond3A : i32
    scf.if %cond3A_5 {
      "tpu.region"() ({
        %run_scoped3A = tpu.sem_alloc : memref<!tpu.dma_semaphore, #tpu.memory_space<semaphore_mem>>
        tpu.enqueue_dma source(%arg3 : memref<119x128xf32, #tpu.memory_space<hbm>>) target(%arg8 : memref<119x128xf32, #tpu.memory_space<vmem_shared>>) target_semaphore(%run_scoped3A : memref<!tpu.dma_semaphore, #tpu.memory_space<semaphore_mem>>)
        tpu.wait_dma2 semaphore(%run_scoped3A : memref<!tpu.dma_semaphore, #tpu.memory_space<semaphore_mem>>) src(%arg3 : memref<119x128xf32, #tpu.memory_space<hbm>>) dst(%arg8 : memref<119x128xf32, #tpu.memory_space<vmem_shared>>)
        tpu.yield
      }) : () -> ()
    } else {
    }
    "tpu.region"() ({
      %run_scoped3A = tpu.sem_alloc : memref<!tpu.dma_semaphore, #tpu.memory_space<semaphore_mem>>
      %dma_start3A_984 = tpu.memref_slice %arg2[%multiple_of3A] : memref<100000xi32, #tpu.memory_space<hbm>> -> memref<3200xi32, #tpu.memory_space<hbm>>
      %dma_start3A_985 = tpu.memref_slice %arg2[%multiple_of3A] : memref<100000xi32, #tpu.memory_space<hbm>> -> memref<3200xi32, #tpu.memory_space<hbm>>
      tpu.enqueue_dma source(%dma_start3A_985 : memref<3200xi32, #tpu.memory_space<hbm>>) target(%arg6 : memref<3200xi32, #tpu.memory_space<vmem>>) target_semaphore(%run_scoped3A : memref<!tpu.dma_semaphore, #tpu.memory_space<semaphore_mem>>)
      %dma_wait3A_986 = tpu.memref_slice %arg2[%multiple_of3A] : memref<100000xi32, #tpu.memory_space<hbm>> -> memref<3200xi32, #tpu.memory_space<hbm>>
      %dma_wait3A_987 = tpu.memref_slice %arg2[%multiple_of3A] : memref<100000xi32, #tpu.memory_space<hbm>> -> memref<3200xi32, #tpu.memory_space<hbm>>
      tpu.wait_dma2 semaphore(%run_scoped3A : memref<!tpu.dma_semaphore, #tpu.memory_space<semaphore_mem>>) src(%dma_wait3A_987 : memref<3200xi32, #tpu.memory_space<hbm>>) dst(%arg6 : memref<3200xi32, #tpu.memory_space<vmem>>)
      tpu.yield
    }) : () -> ()
    %barrier3A = arith.constant 0 : index
    tpu.barrier barrier_id(%barrier3A)
    %dma_start3A = arith.constant 0 : i32
    %dma_start3A_6 = arith.constant 0 : i32
    %dma_start3A_7 = arith.constant 0 : i32
    %dma_start3A_8 = arith.constant 0 : i32
    %dma_start3A_9 = tpu.memref_slice %arg7[%dma_start3A, %dma_start3A_7, %dma_start3A_8] : memref<3x320x128xf32, #tpu.memory_space<vmem>> -> memref<1x320x128xf32, #tpu.memory_space<vmem>>
    %dma_start3A_10 = tpu.memref_squeeze %dma_start3A_9 : memref<1x320x128xf32, #tpu.memory_space<vmem>> -> memref<320x128xf32, #tpu.memory_space<vmem>>
    %dma_start3A_11 = arith.constant 0 : i32
    %dma_start3A_12 = tpu.memref_slice %arg6[%dma_start3A_11] : memref<3200xi32, #tpu.memory_space<vmem>> -> memref<320xi32, #tpu.memory_space<vmem>>
    %dma_start3A_13 = arith.constant 0 : i32
    %dma_start3A_14 = arith.constant 0 : i32
    %dma_start3A_15 = tpu.memref_slice %arg8[%dma_start3A_13, %dma_start3A_14] : memref<119x128xf32, #tpu.memory_space<vmem_shared>> -> memref<119x128xf32, #tpu.memory_space<vmem_shared>>
    %dma_start3A_16 = tpu.memref_slice %arg9[%dma_start3A_6] : memref<3x!tpu.dma_semaphore, #tpu.memory_space<semaphore_mem>> -> memref<1x!tpu.dma_semaphore, #tpu.memory_space<semaphore_mem>>
    %dma_start3A_17 = tpu.memref_squeeze %dma_start3A_16 : memref<1x!tpu.dma_semaphore, #tpu.memory_space<semaphore_mem>> -> memref<!tpu.dma_semaphore, #tpu.memory_space<semaphore_mem>>
    tpu.enqueue_indirect_dma source(%dma_start3A_15 : memref<119x128xf32, #tpu.memory_space<vmem_shared>>) target(%dma_start3A_10 : memref<320x128xf32, #tpu.memory_space<vmem>>) offsets(%dma_start3A_12 : memref<320xi32, #tpu.memory_space<vmem>>) semaphore(%dma_start3A_17 : memref<!tpu.dma_semaphore, #tpu.memory_space<semaphore_mem>>)
    %dma_wait3A = arith.constant 0 : i32
    %dma_wait3A_18 = arith.constant 0 : i32
    %dma_wait3A_19 = arith.constant 0 : i32
    %dma_wait3A_20 = arith.constant 0 : i32
    %dma_wait3A_21 = tpu.memref_slice %arg7[%dma_wait3A, %dma_wait3A_19, %dma_wait3A_20] : memref<3x320x128xf32, #tpu.memory_space<vmem>> -> memref<1x320x128xf32, #tpu.memory_space<vmem>>
    %dma_wait3A_22 = tpu.memref_squeeze %dma_wait3A_21 : memref<1x320x128xf32, #tpu.memory_space<vmem>> -> memref<320x128xf32, #tpu.memory_space<vmem>>
    %dma_wait3A_23 = arith.constant 0 : i32
    %dma_wait3A_24 = tpu.memref_slice %arg6[%dma_wait3A_23] : memref<3200xi32, #tpu.memory_space<vmem>> -> memref<320xi32, #tpu.memory_space<vmem>>
    %dma_wait3A_25 = arith.constant 0 : i32
    %dma_wait3A_26 = arith.constant 0 : i32
    %dma_wait3A_27 = tpu.memref_slice %arg8[%dma_wait3A_25, %dma_wait3A_26] : memref<119x128xf32, #tpu.memory_space<vmem_shared>> -> memref<119x128xf32, #tpu.memory_space<vmem_shared>>
    %dma_wait3A_28 = tpu.memref_slice %arg9[%dma_wait3A_18] : memref<3x!tpu.dma_semaphore, #tpu.memory_space<semaphore_mem>> -> memref<1x!tpu.dma_semaphore, #tpu.memory_space<semaphore_mem>>
    %dma_wait3A_29 = tpu.memref_squeeze %dma_wait3A_28 : memref<1x!tpu.dma_semaphore, #tpu.memory_space<semaphore_mem>> -> memref<!tpu.dma_semaphore, #tpu.memory_space<semaphore_mem>>
    tpu.wait_indirect_dma semaphore(%dma_wait3A_29 : memref<!tpu.dma_semaphore, #tpu.memory_space<semaphore_mem>>) src(%dma_wait3A_27 : memref<119x128xf32, #tpu.memory_space<vmem_shared>>) dst(%dma_wait3A_22 : memref<320x128xf32, #tpu.memory_space<vmem>>)
    %dma_start3A_30 = arith.constant 1 : i32
    %dma_start3A_31 = arith.constant 1 : i32
    %dma_start3A_32 = arith.constant 0 : i32
    %dma_start3A_33 = arith.constant 0 : i32
    %dma_start3A_34 = tpu.memref_slice %arg7[%dma_start3A_30, %dma_start3A_32, %dma_start3A_33] : memref<3x320x128xf32, #tpu.memory_space<vmem>> -> memref<1x320x128xf32, #tpu.memory_space<vmem>>
    %dma_start3A_35 = tpu.memref_squeeze %dma_start3A_34 : memref<1x320x128xf32, #tpu.memory_space<vmem>> -> memref<320x128xf32, #tpu.memory_space<vmem>>
    %dma_start3A_36 = arith.constant 320 : i32
    %dma_start3A_37 = tpu.memref_slice %arg6[%dma_start3A_36] : memref<3200xi32, #tpu.memory_space<vmem>> -> memref<320xi32, #tpu.memory_space<vmem>>
    %dma_start3A_38 = arith.constant 0 : i32
    %dma_start3A_39 = arith.constant 0 : i32
    %dma_start3A_40 = tpu.memref_slice %arg8[%dma_start3A_38, %dma_start3A_39] : memref<119x128xf32, #tpu.memory_space<vmem_shared>> -> memref<119x128xf32, #tpu.memory_space<vmem_shared>>
    %dma_start3A_41 = tpu.memref_slice %arg9[%dma_start3A_31] : memref<3x!tpu.dma_semaphore, #tpu.memory_space<semaphore_mem>> -> memref<1x!tpu.dma_semaphore, #tpu.memory_space<semaphore_mem>>
    %dma_start3A_42 = tpu.memref_squeeze %dma_start3A_41 : memref<1x!tpu.dma_semaphore, #tpu.memory_space<semaphore_mem>> -> memref<!tpu.dma_semaphore, #tpu.memory_space<semaphore_mem>>
    tpu.enqueue_indirect_dma source(%dma_start3A_40 : memref<119x128xf32, #tpu.memory_space<vmem_shared>>) target(%dma_start3A_35 : memref<320x128xf32, #tpu.memory_space<vmem>>) offsets(%dma_start3A_37 : memref<320xi32, #tpu.memory_space<vmem>>) semaphore(%dma_start3A_42 : memref<!tpu.dma_semaphore, #tpu.memory_space<semaphore_mem>>)
    %add3A_43 = arith.constant 0 : i32
    %add3A_44 = arith.addi %multiple_of3A, %add3A_43 : i32
    %add3A_45 = arith.constant 0 : i32
    %add3A_46 = arith.addi %multiple_of3A, %add3A_45 : i32
    %dma_start3A_47 = arith.constant 0 : i32
    %dma_start3A_48 = arith.constant 0 : i32
    %dma_start3A_49 = arith.constant 0 : i32
    %dma_start3A_50 = arith.constant 0 : i32
    %dma_start3A_51 = tpu.memref_slice %arg7[%dma_start3A_47, %dma_start3A_49, %dma_start3A_50] : memref<3x320x128xf32, #tpu.memory_space<vmem>> -> memref<1x320x128xf32, #tpu.memory_space<vmem>>
    %dma_start3A_52 = tpu.memref_squeeze %dma_start3A_51 : memref<1x320x128xf32, #tpu.memory_space<vmem>> -> memref<320x128xf32, #tpu.memory_space<vmem>>
    %dma_start3A_53 = arith.constant 0 : i32
    %dma_start3A_54 = tpu.memref_slice %arg4[%add3A_44, %dma_start3A_53] : memref<100000x128xf32, #tpu.memory_space<hbm>> -> memref<320x128xf32, #tpu.memory_space<hbm>>
    %dma_start3A_55 = tpu.memref_slice %arg10[%dma_start3A_48] : memref<3x!tpu.dma_semaphore, #tpu.memory_space<semaphore_mem>> -> memref<1x!tpu.dma_semaphore, #tpu.memory_space<semaphore_mem>>
    %dma_start3A_56 = tpu.memref_squeeze %dma_start3A_55 : memref<1x!tpu.dma_semaphore, #tpu.memory_space<semaphore_mem>> -> memref<!tpu.dma_semaphore, #tpu.memory_space<semaphore_mem>>
    %dma_start3A_57 = arith.constant 0 : i32
    %dma_start3A_58 = tpu.memref_slice %arg4[%add3A_44, %dma_start3A_57] : memref<100000x128xf32, #tpu.memory_space<hbm>> -> memref<320x128xf32, #tpu.memory_space<hbm>>
    %dma_start3A_59 = arith.constant 0 : i32
    %dma_start3A_60 = arith.constant 0 : i32
    %dma_start3A_61 = tpu.memref_slice %arg7[%dma_start3A_47, %dma_start3A_59, %dma_start3A_60] : memref<3x320x128xf32, #tpu.memory_space<vmem>> -> memref<1x320x128xf32, #tpu.memory_space<vmem>>
    %dma_start3A_62 = tpu.memref_squeeze %dma_start3A_61 : memref<1x320x128xf32, #tpu.memory_space<vmem>> -> memref<320x128xf32, #tpu.memory_space<vmem>>
    tpu.enqueue_dma source(%dma_start3A_62 : memref<320x128xf32, #tpu.memory_space<vmem>>) target(%dma_start3A_58 : memref<320x128xf32, #tpu.memory_space<hbm>>) target_semaphore(%dma_start3A_56 : memref<!tpu.dma_semaphore, #tpu.memory_space<semaphore_mem>>)
    %dma_start3A_63 = arith.constant 0 : i32
    %dma_start3A_64 = arith.constant 0 : i32
    %dma_start3A_65 = arith.constant 0 : i32
    %dma_start3A_66 = arith.constant 0 : i32
    %dma_start3A_67 = tpu.memref_slice %arg7[%dma_start3A_63, %dma_start3A_65, %dma_start3A_66] : memref<3x320x128xf32, #tpu.memory_space<vmem>> -> memref<1x320x128xf32, #tpu.memory_space<vmem>>
    %dma_start3A_68 = tpu.memref_squeeze %dma_start3A_67 : memref<1x320x128xf32, #tpu.memory_space<vmem>> -> memref<320x128xf32, #tpu.memory_space<vmem>>
    %dma_start3A_69 = arith.constant 0 : i32
    %dma_start3A_70 = tpu.memref_slice %arg5[%add3A_46, %dma_start3A_69] : memref<100000x128xf32, #tpu.memory_space<hbm>> -> memref<320x128xf32, #tpu.memory_space<hbm>>
    %dma_start3A_71 = tpu.memref_slice %arg10[%dma_start3A_64] : memref<3x!tpu.dma_semaphore, #tpu.memory_space<semaphore_mem>> -> memref<1x!tpu.dma_semaphore, #tpu.memory_space<semaphore_mem>>
    %dma_start3A_72 = tpu.memref_squeeze %dma_start3A_71 : memref<1x!tpu.dma_semaphore, #tpu.memory_space<semaphore_mem>> -> memref<!tpu.dma_semaphore, #tpu.memory_space<semaphore_mem>>
    %dma_start3A_73 = arith.constant 0 : i32
    %dma_start3A_74 = tpu.memref_slice %arg5[%add3A_46, %dma_start3A_73] : memref<100000x128xf32, #tpu.memory_space<hbm>> -> memref<320x128xf32, #tpu.memory_space<hbm>>
    %dma_start3A_75 = arith.constant 0 : i32
    %dma_start3A_76 = arith.constant 0 : i32
    %dma_start3A_77 = tpu.memref_slice %arg7[%dma_start3A_63, %dma_start3A_75, %dma_start3A_76] : memref<3x320x128xf32, #tpu.memory_space<vmem>> -> memref<1x320x128xf32, #tpu.memory_space<vmem>>
    %dma_start3A_78 = tpu.memref_squeeze %dma_start3A_77 : memref<1x320x128xf32, #tpu.memory_space<vmem>> -> memref<320x128xf32, #tpu.memory_space<vmem>>
    tpu.enqueue_dma source(%dma_start3A_78 : memref<320x128xf32, #tpu.memory_space<vmem>>) target(%dma_start3A_74 : memref<320x128xf32, #tpu.memory_space<hbm>>) target_semaphore(%dma_start3A_72 : memref<!tpu.dma_semaphore, #tpu.memory_space<semaphore_mem>>)
    %dma_wait3A_79 = arith.constant 1 : i32
    %dma_wait3A_80 = arith.constant 1 : i32
    %dma_wait3A_81 = arith.constant 0 : i32
    %dma_wait3A_82 = arith.constant 0 : i32
    %dma_wait3A_83 = tpu.memref_slice %arg7[%dma_wait3A_79, %dma_wait3A_81, %dma_wait3A_82] : memref<3x320x128xf32, #tpu.memory_space<vmem>> -> memref<1x320x128xf32, #tpu.memory_space<vmem>>
    %dma_wait3A_84 = tpu.memref_squeeze %dma_wait3A_83 : memref<1x320x128xf32, #tpu.memory_space<vmem>> -> memref<320x128xf32, #tpu.memory_space<vmem>>
    %dma_wait3A_85 = arith.constant 320 : i32
    %dma_wait3A_86 = tpu.memref_slice %arg6[%dma_wait3A_85] : memref<3200xi32, #tpu.memory_space<vmem>> -> memref<320xi32, #tpu.memory_space<vmem>>
    %dma_wait3A_87 = arith.constant 0 : i32
    %dma_wait3A_88 = arith.constant 0 : i32
    %dma_wait3A_89 = tpu.memref_slice %arg8[%dma_wait3A_87, %dma_wait3A_88] : memref<119x128xf32, #tpu.memory_space<vmem_shared>> -> memref<119x128xf32, #tpu.memory_space<vmem_shared>>
    %dma_wait3A_90 = tpu.memref_slice %arg9[%dma_wait3A_80] : memref<3x!tpu.dma_semaphore, #tpu.memory_space<semaphore_mem>> -> memref<1x!tpu.dma_semaphore, #tpu.memory_space<semaphore_mem>>
    %dma_wait3A_91 = tpu.memref_squeeze %dma_wait3A_90 : memref<1x!tpu.dma_semaphore, #tpu.memory_space<semaphore_mem>> -> memref<!tpu.dma_semaphore, #tpu.memory_space<semaphore_mem>>
    tpu.wait_indirect_dma semaphore(%dma_wait3A_91 : memref<!tpu.dma_semaphore, #tpu.memory_space<semaphore_mem>>) src(%dma_wait3A_89 : memref<119x128xf32, #tpu.memory_space<vmem_shared>>) dst(%dma_wait3A_84 : memref<320x128xf32, #tpu.memory_space<vmem>>)
    %dma_start3A_92 = arith.constant 2 : i32
    %dma_start3A_93 = arith.constant 2 : i32
    %dma_start3A_94 = arith.constant 0 : i32
    %dma_start3A_95 = arith.constant 0 : i32
    %dma_start3A_96 = tpu.memref_slice %arg7[%dma_start3A_92, %dma_start3A_94, %dma_start3A_95] : memref<3x320x128xf32, #tpu.memory_space<vmem>> -> memref<1x320x128xf32, #tpu.memory_space<vmem>>
    %dma_start3A_97 = tpu.memref_squeeze %dma_start3A_96 : memref<1x320x128xf32, #tpu.memory_space<vmem>> -> memref<320x128xf32, #tpu.memory_space<vmem>>
    %dma_start3A_98 = arith.constant 640 : i32
    %dma_start3A_99 = tpu.memref_slice %arg6[%dma_start3A_98] : memref<3200xi32, #tpu.memory_space<vmem>> -> memref<320xi32, #tpu.memory_space<vmem>>
    %dma_start3A_100 = arith.constant 0 : i32
    %dma_start3A_101 = arith.constant 0 : i32
    %dma_start3A_102 = tpu.memref_slice %arg8[%dma_start3A_100, %dma_start3A_101] : memref<119x128xf32, #tpu.memory_space<vmem_shared>> -> memref<119x128xf32, #tpu.memory_space<vmem_shared>>
    %dma_start3A_103 = tpu.memref_slice %arg9[%dma_start3A_93] : memref<3x!tpu.dma_semaphore, #tpu.memory_space<semaphore_mem>> -> memref<1x!tpu.dma_semaphore, #tpu.memory_space<semaphore_mem>>
    %dma_start3A_104 = tpu.memref_squeeze %dma_start3A_103 : memref<1x!tpu.dma_semaphore, #tpu.memory_space<semaphore_mem>> -> memref<!tpu.dma_semaphore, #tpu.memory_space<semaphore_mem>>
    tpu.enqueue_indirect_dma source(%dma_start3A_102 : memref<119x128xf32, #tpu.memory_space<vmem_shared>>) target(%dma_start3A_97 : memref<320x128xf32, #tpu.memory_space<vmem>>) offsets(%dma_start3A_99 : memref<320xi32, #tpu.memory_space<vmem>>) semaphore(%dma_start3A_104 : memref<!tpu.dma_semaphore, #tpu.memory_space<semaphore_mem>>)
    %add3A_105 = arith.constant 320 : i32
    %add3A_106 = arith.addi %multiple_of3A, %add3A_105 : i32
    %add3A_107 = arith.constant 320 : i32
    %add3A_108 = arith.addi %multiple_of3A, %add3A_107 : i32
    %dma_start3A_109 = arith.constant 1 : i32
    %dma_start3A_110 = arith.constant 1 : i32
    %dma_start3A_111 = arith.constant 0 : i32
    %dma_start3A_112 = arith.constant 0 : i32
    %dma_start3A_113 = tpu.memref_slice %arg7[%dma_start3A_109, %dma_start3A_111, %dma_start3A_112] : memref<3x320x128xf32, #tpu.memory_space<vmem>> -> memref<1x320x128xf32, #tpu.memory_space<vmem>>
    %dma_start3A_114 = tpu.memref_squeeze %dma_start3A_113 : memref<1x320x128xf32, #tpu.memory_space<vmem>> -> memref<320x128xf32, #tpu.memory_space<vmem>>
    %dma_start3A_115 = arith.constant 0 : i32
    %dma_start3A_116 = tpu.memref_slice %arg4[%add3A_106, %dma_start3A_115] : memref<100000x128xf32, #tpu.memory_space<hbm>> -> memref<320x128xf32, #tpu.memory_space<hbm>>
    %dma_start3A_117 = tpu.memref_slice %arg10[%dma_start3A_110] : memref<3x!tpu.dma_semaphore, #tpu.memory_space<semaphore_mem>> -> memref<1x!tpu.dma_semaphore, #tpu.memory_space<semaphore_mem>>
    %dma_start3A_118 = tpu.memref_squeeze %dma_start3A_117 : memref<1x!tpu.dma_semaphore, #tpu.memory_space<semaphore_mem>> -> memref<!tpu.dma_semaphore, #tpu.memory_space<semaphore_mem>>
    %dma_start3A_119 = arith.constant 0 : i32
    %dma_start3A_120 = tpu.memref_slice %arg4[%add3A_106, %dma_start3A_119] : memref<100000x128xf32, #tpu.memory_space<hbm>> -> memref<320x128xf32, #tpu.memory_space<hbm>>
    %dma_start3A_121 = arith.constant 0 : i32
    %dma_start3A_122 = arith.constant 0 : i32
    %dma_start3A_123 = tpu.memref_slice %arg7[%dma_start3A_109, %dma_start3A_121, %dma_start3A_122] : memref<3x320x128xf32, #tpu.memory_space<vmem>> -> memref<1x320x128xf32, #tpu.memory_space<vmem>>
    %dma_start3A_124 = tpu.memref_squeeze %dma_start3A_123 : memref<1x320x128xf32, #tpu.memory_space<vmem>> -> memref<320x128xf32, #tpu.memory_space<vmem>>
    tpu.enqueue_dma source(%dma_start3A_124 : memref<320x128xf32, #tpu.memory_space<vmem>>) target(%dma_start3A_120 : memref<320x128xf32, #tpu.memory_space<hbm>>) target_semaphore(%dma_start3A_118 : memref<!tpu.dma_semaphore, #tpu.memory_space<semaphore_mem>>)
    %dma_start3A_125 = arith.constant 1 : i32
    %dma_start3A_126 = arith.constant 1 : i32
    %dma_start3A_127 = arith.constant 0 : i32
    %dma_start3A_128 = arith.constant 0 : i32
    %dma_start3A_129 = tpu.memref_slice %arg7[%dma_start3A_125, %dma_start3A_127, %dma_start3A_128] : memref<3x320x128xf32, #tpu.memory_space<vmem>> -> memref<1x320x128xf32, #tpu.memory_space<vmem>>
    %dma_start3A_130 = tpu.memref_squeeze %dma_start3A_129 : memref<1x320x128xf32, #tpu.memory_space<vmem>> -> memref<320x128xf32, #tpu.memory_space<vmem>>
    %dma_start3A_131 = arith.constant 0 : i32
    %dma_start3A_132 = tpu.memref_slice %arg5[%add3A_108, %dma_start3A_131] : memref<100000x128xf32, #tpu.memory_space<hbm>> -> memref<320x128xf32, #tpu.memory_space<hbm>>
    %dma_start3A_133 = tpu.memref_slice %arg10[%dma_start3A_126] : memref<3x!tpu.dma_semaphore, #tpu.memory_space<semaphore_mem>> -> memref<1x!tpu.dma_semaphore, #tpu.memory_space<semaphore_mem>>
    %dma_start3A_134 = tpu.memref_squeeze %dma_start3A_133 : memref<1x!tpu.dma_semaphore, #tpu.memory_space<semaphore_mem>> -> memref<!tpu.dma_semaphore, #tpu.memory_space<semaphore_mem>>
    %dma_start3A_135 = arith.constant 0 : i32
    %dma_start3A_136 = tpu.memref_slice %arg5[%add3A_108, %dma_start3A_135] : memref<100000x128xf32, #tpu.memory_space<hbm>> -> memref<320x128xf32, #tpu.memory_space<hbm>>
    %dma_start3A_137 = arith.constant 0 : i32
    %dma_start3A_138 = arith.constant 0 : i32
    %dma_start3A_139 = tpu.memref_slice %arg7[%dma_start3A_125, %dma_start3A_137, %dma_start3A_138] : memref<3x320x128xf32, #tpu.memory_space<vmem>> -> memref<1x320x128xf32, #tpu.memory_space<vmem>>
    %dma_start3A_140 = tpu.memref_squeeze %dma_start3A_139 : memref<1x320x128xf32, #tpu.memory_space<vmem>> -> memref<320x128xf32, #tpu.memory_space<vmem>>
    tpu.enqueue_dma source(%dma_start3A_140 : memref<320x128xf32, #tpu.memory_space<vmem>>) target(%dma_start3A_136 : memref<320x128xf32, #tpu.memory_space<hbm>>) target_semaphore(%dma_start3A_134 : memref<!tpu.dma_semaphore, #tpu.memory_space<semaphore_mem>>)
    %dma_wait3A_141 = arith.constant 2 : i32
    %dma_wait3A_142 = arith.constant 2 : i32
    %dma_wait3A_143 = arith.constant 0 : i32
    %dma_wait3A_144 = arith.constant 0 : i32
    %dma_wait3A_145 = tpu.memref_slice %arg7[%dma_wait3A_141, %dma_wait3A_143, %dma_wait3A_144] : memref<3x320x128xf32, #tpu.memory_space<vmem>> -> memref<1x320x128xf32, #tpu.memory_space<vmem>>
    %dma_wait3A_146 = tpu.memref_squeeze %dma_wait3A_145 : memref<1x320x128xf32, #tpu.memory_space<vmem>> -> memref<320x128xf32, #tpu.memory_space<vmem>>
    %dma_wait3A_147 = arith.constant 640 : i32
    %dma_wait3A_148 = tpu.memref_slice %arg6[%dma_wait3A_147] : memref<3200xi32, #tpu.memory_space<vmem>> -> memref<320xi32, #tpu.memory_space<vmem>>
    %dma_wait3A_149 = arith.constant 0 : i32
    %dma_wait3A_150 = arith.constant 0 : i32
    %dma_wait3A_151 = tpu.memref_slice %arg8[%dma_wait3A_149, %dma_wait3A_150] : memref<119x128xf32, #tpu.memory_space<vmem_shared>> -> memref<119x128xf32, #tpu.memory_space<vmem_shared>>
    %dma_wait3A_152 = tpu.memref_slice %arg9[%dma_wait3A_142] : memref<3x!tpu.dma_semaphore, #tpu.memory_space<semaphore_mem>> -> memref<1x!tpu.dma_semaphore, #tpu.memory_space<semaphore_mem>>
    %dma_wait3A_153 = tpu.memref_squeeze %dma_wait3A_152 : memref<1x!tpu.dma_semaphore, #tpu.memory_space<semaphore_mem>> -> memref<!tpu.dma_semaphore, #tpu.memory_space<semaphore_mem>>
    tpu.wait_indirect_dma semaphore(%dma_wait3A_153 : memref<!tpu.dma_semaphore, #tpu.memory_space<semaphore_mem>>) src(%dma_wait3A_151 : memref<119x128xf32, #tpu.memory_space<vmem_shared>>) dst(%dma_wait3A_146 : memref<320x128xf32, #tpu.memory_space<vmem>>)
    %add3A_154 = arith.constant 0 : i32
    %add3A_155 = arith.addi %multiple_of3A, %add3A_154 : i32
    %add3A_156 = arith.constant 0 : i32
    %add3A_157 = arith.addi %multiple_of3A, %add3A_156 : i32
    %dma_wait3A_158 = arith.constant 0 : i32
    %dma_wait3A_159 = arith.constant 0 : i32
    %dma_wait3A_160 = arith.constant 0 : i32
    %dma_wait3A_161 = arith.constant 0 : i32
    %dma_wait3A_162 = tpu.memref_slice %arg7[%dma_wait3A_158, %dma_wait3A_160, %dma_wait3A_161] : memref<3x320x128xf32, #tpu.memory_space<vmem>> -> memref<1x320x128xf32, #tpu.memory_space<vmem>>
    %dma_wait3A_163 = tpu.memref_squeeze %dma_wait3A_162 : memref<1x320x128xf32, #tpu.memory_space<vmem>> -> memref<320x128xf32, #tpu.memory_space<vmem>>
    %dma_wait3A_164 = arith.constant 0 : i32
    %dma_wait3A_165 = tpu.memref_slice %arg4[%add3A_155, %dma_wait3A_164] : memref<100000x128xf32, #tpu.memory_space<hbm>> -> memref<320x128xf32, #tpu.memory_space<hbm>>
    %dma_wait3A_166 = tpu.memref_slice %arg10[%dma_wait3A_159] : memref<3x!tpu.dma_semaphore, #tpu.memory_space<semaphore_mem>> -> memref<1x!tpu.dma_semaphore, #tpu.memory_space<semaphore_mem>>
    %dma_wait3A_167 = tpu.memref_squeeze %dma_wait3A_166 : memref<1x!tpu.dma_semaphore, #tpu.memory_space<semaphore_mem>> -> memref<!tpu.dma_semaphore, #tpu.memory_space<semaphore_mem>>
    %dma_wait3A_168 = arith.constant 0 : i32
    %dma_wait3A_169 = tpu.memref_slice %arg4[%add3A_155, %dma_wait3A_168] : memref<100000x128xf32, #tpu.memory_space<hbm>> -> memref<320x128xf32, #tpu.memory_space<hbm>>
    %dma_wait3A_170 = arith.constant 0 : i32
    %dma_wait3A_171 = arith.constant 0 : i32
    %dma_wait3A_172 = tpu.memref_slice %arg7[%dma_wait3A_158, %dma_wait3A_170, %dma_wait3A_171] : memref<3x320x128xf32, #tpu.memory_space<vmem>> -> memref<1x320x128xf32, #tpu.memory_space<vmem>>
    %dma_wait3A_173 = tpu.memref_squeeze %dma_wait3A_172 : memref<1x320x128xf32, #tpu.memory_space<vmem>> -> memref<320x128xf32, #tpu.memory_space<vmem>>
    tpu.wait_dma2 semaphore(%dma_wait3A_167 : memref<!tpu.dma_semaphore, #tpu.memory_space<semaphore_mem>>) src(%dma_wait3A_173 : memref<320x128xf32, #tpu.memory_space<vmem>>) dst(%dma_wait3A_169 : memref<320x128xf32, #tpu.memory_space<hbm>>)
    %dma_wait3A_174 = arith.constant 0 : i32
    %dma_wait3A_175 = arith.constant 0 : i32
    %dma_wait3A_176 = arith.constant 0 : i32
    %dma_wait3A_177 = arith.constant 0 : i32
    %dma_wait3A_178 = tpu.memref_slice %arg7[%dma_wait3A_174, %dma_wait3A_176, %dma_wait3A_177] : memref<3x320x128xf32, #tpu.memory_space<vmem>> -> memref<1x320x128xf32, #tpu.memory_space<vmem>>
    %dma_wait3A_179 = tpu.memref_squeeze %dma_wait3A_178 : memref<1x320x128xf32, #tpu.memory_space<vmem>> -> memref<320x128xf32, #tpu.memory_space<vmem>>
    %dma_wait3A_180 = arith.constant 0 : i32
    %dma_wait3A_181 = tpu.memref_slice %arg5[%add3A_157, %dma_wait3A_180] : memref<100000x128xf32, #tpu.memory_space<hbm>> -> memref<320x128xf32, #tpu.memory_space<hbm>>
    %dma_wait3A_182 = tpu.memref_slice %arg10[%dma_wait3A_175] : memref<3x!tpu.dma_semaphore, #tpu.memory_space<semaphore_mem>> -> memref<1x!tpu.dma_semaphore, #tpu.memory_space<semaphore_mem>>
    %dma_wait3A_183 = tpu.memref_squeeze %dma_wait3A_182 : memref<1x!tpu.dma_semaphore, #tpu.memory_space<semaphore_mem>> -> memref<!tpu.dma_semaphore, #tpu.memory_space<semaphore_mem>>
    %dma_wait3A_184 = arith.constant 0 : i32
    %dma_wait3A_185 = tpu.memref_slice %arg5[%add3A_157, %dma_wait3A_184] : memref<100000x128xf32, #tpu.memory_space<hbm>> -> memref<320x128xf32, #tpu.memory_space<hbm>>
    %dma_wait3A_186 = arith.constant 0 : i32
    %dma_wait3A_187 = arith.constant 0 : i32
    %dma_wait3A_188 = tpu.memref_slice %arg7[%dma_wait3A_174, %dma_wait3A_186, %dma_wait3A_187] : memref<3x320x128xf32, #tpu.memory_space<vmem>> -> memref<1x320x128xf32, #tpu.memory_space<vmem>>
    %dma_wait3A_189 = tpu.memref_squeeze %dma_wait3A_188 : memref<1x320x128xf32, #tpu.memory_space<vmem>> -> memref<320x128xf32, #tpu.memory_space<vmem>>
    tpu.wait_dma2 semaphore(%dma_wait3A_183 : memref<!tpu.dma_semaphore, #tpu.memory_space<semaphore_mem>>) src(%dma_wait3A_189 : memref<320x128xf32, #tpu.memory_space<vmem>>) dst(%dma_wait3A_185 : memref<320x128xf32, #tpu.memory_space<hbm>>)
    %dma_start3A_190 = arith.constant 0 : i32
    %dma_start3A_191 = arith.constant 0 : i32
    %dma_start3A_192 = arith.constant 0 : i32
    %dma_start3A_193 = arith.constant 0 : i32
    %dma_start3A_194 = tpu.memref_slice %arg7[%dma_start3A_190, %dma_start3A_192, %dma_start3A_193] : memref<3x320x128xf32, #tpu.memory_space<vmem>> -> memref<1x320x128xf32, #tpu.memory_space<vmem>>
    %dma_start3A_195 = tpu.memref_squeeze %dma_start3A_194 : memref<1x320x128xf32, #tpu.memory_space<vmem>> -> memref<320x128xf32, #tpu.memory_space<vmem>>
    %dma_start3A_196 = arith.constant 960 : i32
    %dma_start3A_197 = tpu.memref_slice %arg6[%dma_start3A_196] : memref<3200xi32, #tpu.memory_space<vmem>> -> memref<320xi32, #tpu.memory_space<vmem>>
    %dma_start3A_198 = arith.constant 0 : i32
    %dma_start3A_199 = arith.constant 0 : i32
    %dma_start3A_200 = tpu.memref_slice %arg8[%dma_start3A_198, %dma_start3A_199] : memref<119x128xf32, #tpu.memory_space<vmem_shared>> -> memref<119x128xf32, #tpu.memory_space<vmem_shared>>
    %dma_start3A_201 = tpu.memref_slice %arg9[%dma_start3A_191] : memref<3x!tpu.dma_semaphore, #tpu.memory_space<semaphore_mem>> -> memref<1x!tpu.dma_semaphore, #tpu.memory_space<semaphore_mem>>
    %dma_start3A_202 = tpu.memref_squeeze %dma_start3A_201 : memref<1x!tpu.dma_semaphore, #tpu.memory_space<semaphore_mem>> -> memref<!tpu.dma_semaphore, #tpu.memory_space<semaphore_mem>>
    tpu.enqueue_indirect_dma source(%dma_start3A_200 : memref<119x128xf32, #tpu.memory_space<vmem_shared>>) target(%dma_start3A_195 : memref<320x128xf32, #tpu.memory_space<vmem>>) offsets(%dma_start3A_197 : memref<320xi32, #tpu.memory_space<vmem>>) semaphore(%dma_start3A_202 : memref<!tpu.dma_semaphore, #tpu.memory_space<semaphore_mem>>)
    %add3A_203 = arith.constant 640 : i32
    %add3A_204 = arith.addi %multiple_of3A, %add3A_203 : i32
    %add3A_205 = arith.constant 640 : i32
    %add3A_206 = arith.addi %multiple_of3A, %add3A_205 : i32
    %dma_start3A_207 = arith.constant 2 : i32
    %dma_start3A_208 = arith.constant 2 : i32
    %dma_start3A_209 = arith.constant 0 : i32
    %dma_start3A_210 = arith.constant 0 : i32
    %dma_start3A_211 = tpu.memref_slice %arg7[%dma_start3A_207, %dma_start3A_209, %dma_start3A_210] : memref<3x320x128xf32, #tpu.memory_space<vmem>> -> memref<1x320x128xf32, #tpu.memory_space<vmem>>
    %dma_start3A_212 = tpu.memref_squeeze %dma_start3A_211 : memref<1x320x128xf32, #tpu.memory_space<vmem>> -> memref<320x128xf32, #tpu.memory_space<vmem>>
    %dma_start3A_213 = arith.constant 0 : i32
    %dma_start3A_214 = tpu.memref_slice %arg4[%add3A_204, %dma_start3A_213] : memref<100000x128xf32, #tpu.memory_space<hbm>> -> memref<320x128xf32, #tpu.memory_space<hbm>>
    %dma_start3A_215 = tpu.memref_slice %arg10[%dma_start3A_208] : memref<3x!tpu.dma_semaphore, #tpu.memory_space<semaphore_mem>> -> memref<1x!tpu.dma_semaphore, #tpu.memory_space<semaphore_mem>>
    %dma_start3A_216 = tpu.memref_squeeze %dma_start3A_215 : memref<1x!tpu.dma_semaphore, #tpu.memory_space<semaphore_mem>> -> memref<!tpu.dma_semaphore, #tpu.memory_space<semaphore_mem>>
    %dma_start3A_217 = arith.constant 0 : i32
    %dma_start3A_218 = tpu.memref_slice %arg4[%add3A_204, %dma_start3A_217] : memref<100000x128xf32, #tpu.memory_space<hbm>> -> memref<320x128xf32, #tpu.memory_space<hbm>>
    %dma_start3A_219 = arith.constant 0 : i32
    %dma_start3A_220 = arith.constant 0 : i32
    %dma_start3A_221 = tpu.memref_slice %arg7[%dma_start3A_207, %dma_start3A_219, %dma_start3A_220] : memref<3x320x128xf32, #tpu.memory_space<vmem>> -> memref<1x320x128xf32, #tpu.memory_space<vmem>>
    %dma_start3A_222 = tpu.memref_squeeze %dma_start3A_221 : memref<1x320x128xf32, #tpu.memory_space<vmem>> -> memref<320x128xf32, #tpu.memory_space<vmem>>
    tpu.enqueue_dma source(%dma_start3A_222 : memref<320x128xf32, #tpu.memory_space<vmem>>) target(%dma_start3A_218 : memref<320x128xf32, #tpu.memory_space<hbm>>) target_semaphore(%dma_start3A_216 : memref<!tpu.dma_semaphore, #tpu.memory_space<semaphore_mem>>)
    %dma_start3A_223 = arith.constant 2 : i32
    %dma_start3A_224 = arith.constant 2 : i32
    %dma_start3A_225 = arith.constant 0 : i32
    %dma_start3A_226 = arith.constant 0 : i32
    %dma_start3A_227 = tpu.memref_slice %arg7[%dma_start3A_223, %dma_start3A_225, %dma_start3A_226] : memref<3x320x128xf32, #tpu.memory_space<vmem>> -> memref<1x320x128xf32, #tpu.memory_space<vmem>>
    %dma_start3A_228 = tpu.memref_squeeze %dma_start3A_227 : memref<1x320x128xf32, #tpu.memory_space<vmem>> -> memref<320x128xf32, #tpu.memory_space<vmem>>
    %dma_start3A_229 = arith.constant 0 : i32
    %dma_start3A_230 = tpu.memref_slice %arg5[%add3A_206, %dma_start3A_229] : memref<100000x128xf32, #tpu.memory_space<hbm>> -> memref<320x128xf32, #tpu.memory_space<hbm>>
    %dma_start3A_231 = tpu.memref_slice %arg10[%dma_start3A_224] : memref<3x!tpu.dma_semaphore, #tpu.memory_space<semaphore_mem>> -> memref<1x!tpu.dma_semaphore, #tpu.memory_space<semaphore_mem>>
    %dma_start3A_232 = tpu.memref_squeeze %dma_start3A_231 : memref<1x!tpu.dma_semaphore, #tpu.memory_space<semaphore_mem>> -> memref<!tpu.dma_semaphore, #tpu.memory_space<semaphore_mem>>
    %dma_start3A_233 = arith.constant 0 : i32
    %dma_start3A_234 = tpu.memref_slice %arg5[%add3A_206, %dma_start3A_233] : memref<100000x128xf32, #tpu.memory_space<hbm>> -> memref<320x128xf32, #tpu.memory_space<hbm>>
    %dma_start3A_235 = arith.constant 0 : i32
    %dma_start3A_236 = arith.constant 0 : i32
    %dma_start3A_237 = tpu.memref_slice %arg7[%dma_start3A_223, %dma_start3A_235, %dma_start3A_236] : memref<3x320x128xf32, #tpu.memory_space<vmem>> -> memref<1x320x128xf32, #tpu.memory_space<vmem>>
    %dma_start3A_238 = tpu.memref_squeeze %dma_start3A_237 : memref<1x320x128xf32, #tpu.memory_space<vmem>> -> memref<320x128xf32, #tpu.memory_space<vmem>>
    tpu.enqueue_dma source(%dma_start3A_238 : memref<320x128xf32, #tpu.memory_space<vmem>>) target(%dma_start3A_234 : memref<320x128xf32, #tpu.memory_space<hbm>>) target_semaphore(%dma_start3A_232 : memref<!tpu.dma_semaphore, #tpu.memory_space<semaphore_mem>>)
    %dma_wait3A_239 = arith.constant 0 : i32
    %dma_wait3A_240 = arith.constant 0 : i32
    %dma_wait3A_241 = arith.constant 0 : i32
    %dma_wait3A_242 = arith.constant 0 : i32
    %dma_wait3A_243 = tpu.memref_slice %arg7[%dma_wait3A_239, %dma_wait3A_241, %dma_wait3A_242] : memref<3x320x128xf32, #tpu.memory_space<vmem>> -> memref<1x320x128xf32, #tpu.memory_space<vmem>>
    %dma_wait3A_244 = tpu.memref_squeeze %dma_wait3A_243 : memref<1x320x128xf32, #tpu.memory_space<vmem>> -> memref<320x128xf32, #tpu.memory_space<vmem>>
    %dma_wait3A_245 = arith.constant 960 : i32
    %dma_wait3A_246 = tpu.memref_slice %arg6[%dma_wait3A_245] : memref<3200xi32, #tpu.memory_space<vmem>> -> memref<320xi32, #tpu.memory_space<vmem>>
    %dma_wait3A_247 = arith.constant 0 : i32
    %dma_wait3A_248 = arith.constant 0 : i32
    %dma_wait3A_249 = tpu.memref_slice %arg8[%dma_wait3A_247, %dma_wait3A_248] : memref<119x128xf32, #tpu.memory_space<vmem_shared>> -> memref<119x128xf32, #tpu.memory_space<vmem_shared>>
    %dma_wait3A_250 = tpu.memref_slice %arg9[%dma_wait3A_240] : memref<3x!tpu.dma_semaphore, #tpu.memory_space<semaphore_mem>> -> memref<1x!tpu.dma_semaphore, #tpu.memory_space<semaphore_mem>>
    %dma_wait3A_251 = tpu.memref_squeeze %dma_wait3A_250 : memref<1x!tpu.dma_semaphore, #tpu.memory_space<semaphore_mem>> -> memref<!tpu.dma_semaphore, #tpu.memory_space<semaphore_mem>>
    tpu.wait_indirect_dma semaphore(%dma_wait3A_251 : memref<!tpu.dma_semaphore, #tpu.memory_space<semaphore_mem>>) src(%dma_wait3A_249 : memref<119x128xf32, #tpu.memory_space<vmem_shared>>) dst(%dma_wait3A_244 : memref<320x128xf32, #tpu.memory_space<vmem>>)
    %add3A_252 = arith.constant 320 : i32
    %add3A_253 = arith.addi %multiple_of3A, %add3A_252 : i32
    %add3A_254 = arith.constant 320 : i32
    %add3A_255 = arith.addi %multiple_of3A, %add3A_254 : i32
    %dma_wait3A_256 = arith.constant 1 : i32
    %dma_wait3A_257 = arith.constant 1 : i32
    %dma_wait3A_258 = arith.constant 0 : i32
    %dma_wait3A_259 = arith.constant 0 : i32
    %dma_wait3A_260 = tpu.memref_slice %arg7[%dma_wait3A_256, %dma_wait3A_258, %dma_wait3A_259] : memref<3x320x128xf32, #tpu.memory_space<vmem>> -> memref<1x320x128xf32, #tpu.memory_space<vmem>>
    %dma_wait3A_261 = tpu.memref_squeeze %dma_wait3A_260 : memref<1x320x128xf32, #tpu.memory_space<vmem>> -> memref<320x128xf32, #tpu.memory_space<vmem>>
    %dma_wait3A_262 = arith.constant 0 : i32
    %dma_wait3A_263 = tpu.memref_slice %arg4[%add3A_253, %dma_wait3A_262] : memref<100000x128xf32, #tpu.memory_space<hbm>> -> memref<320x128xf32, #tpu.memory_space<hbm>>
    %dma_wait3A_264 = tpu.memref_slice %arg10[%dma_wait3A_257] : memref<3x!tpu.dma_semaphore, #tpu.memory_space<semaphore_mem>> -> memref<1x!tpu.dma_semaphore, #tpu.memory_space<semaphore_mem>>
    %dma_wait3A_265 = tpu.memref_squeeze %dma_wait3A_264 : memref<1x!tpu.dma_semaphore, #tpu.memory_space<semaphore_mem>> -> memref<!tpu.dma_semaphore, #tpu.memory_space<semaphore_mem>>
    %dma_wait3A_266 = arith.constant 0 : i32
    %dma_wait3A_267 = tpu.memref_slice %arg4[%add3A_253, %dma_wait3A_266] : memref<100000x128xf32, #tpu.memory_space<hbm>> -> memref<320x128xf32, #tpu.memory_space<hbm>>
    %dma_wait3A_268 = arith.constant 0 : i32
    %dma_wait3A_269 = arith.constant 0 : i32
    %dma_wait3A_270 = tpu.memref_slice %arg7[%dma_wait3A_256, %dma_wait3A_268, %dma_wait3A_269] : memref<3x320x128xf32, #tpu.memory_space<vmem>> -> memref<1x320x128xf32, #tpu.memory_space<vmem>>
    %dma_wait3A_271 = tpu.memref_squeeze %dma_wait3A_270 : memref<1x320x128xf32, #tpu.memory_space<vmem>> -> memref<320x128xf32, #tpu.memory_space<vmem>>
    tpu.wait_dma2 semaphore(%dma_wait3A_265 : memref<!tpu.dma_semaphore, #tpu.memory_space<semaphore_mem>>) src(%dma_wait3A_271 : memref<320x128xf32, #tpu.memory_space<vmem>>) dst(%dma_wait3A_267 : memref<320x128xf32, #tpu.memory_space<hbm>>)
    %dma_wait3A_272 = arith.constant 1 : i32
    %dma_wait3A_273 = arith.constant 1 : i32
    %dma_wait3A_274 = arith.constant 0 : i32
    %dma_wait3A_275 = arith.constant 0 : i32
    %dma_wait3A_276 = tpu.memref_slice %arg7[%dma_wait3A_272, %dma_wait3A_274, %dma_wait3A_275] : memref<3x320x128xf32, #tpu.memory_space<vmem>> -> memref<1x320x128xf32, #tpu.memory_space<vmem>>
    %dma_wait3A_277 = tpu.memref_squeeze %dma_wait3A_276 : memref<1x320x128xf32, #tpu.memory_space<vmem>> -> memref<320x128xf32, #tpu.memory_space<vmem>>
    %dma_wait3A_278 = arith.constant 0 : i32
    %dma_wait3A_279 = tpu.memref_slice %arg5[%add3A_255, %dma_wait3A_278] : memref<100000x128xf32, #tpu.memory_space<hbm>> -> memref<320x128xf32, #tpu.memory_space<hbm>>
    %dma_wait3A_280 = tpu.memref_slice %arg10[%dma_wait3A_273] : memref<3x!tpu.dma_semaphore, #tpu.memory_space<semaphore_mem>> -> memref<1x!tpu.dma_semaphore, #tpu.memory_space<semaphore_mem>>
    %dma_wait3A_281 = tpu.memref_squeeze %dma_wait3A_280 : memref<1x!tpu.dma_semaphore, #tpu.memory_space<semaphore_mem>> -> memref<!tpu.dma_semaphore, #tpu.memory_space<semaphore_mem>>
    %dma_wait3A_282 = arith.constant 0 : i32
    %dma_wait3A_283 = tpu.memref_slice %arg5[%add3A_255, %dma_wait3A_282] : memref<100000x128xf32, #tpu.memory_space<hbm>> -> memref<320x128xf32, #tpu.memory_space<hbm>>
    %dma_wait3A_284 = arith.constant 0 : i32
    %dma_wait3A_285 = arith.constant 0 : i32
    %dma_wait3A_286 = tpu.memref_slice %arg7[%dma_wait3A_272, %dma_wait3A_284, %dma_wait3A_285] : memref<3x320x128xf32, #tpu.memory_space<vmem>> -> memref<1x320x128xf32, #tpu.memory_space<vmem>>
    %dma_wait3A_287 = tpu.memref_squeeze %dma_wait3A_286 : memref<1x320x128xf32, #tpu.memory_space<vmem>> -> memref<320x128xf32, #tpu.memory_space<vmem>>
    tpu.wait_dma2 semaphore(%dma_wait3A_281 : memref<!tpu.dma_semaphore, #tpu.memory_space<semaphore_mem>>) src(%dma_wait3A_287 : memref<320x128xf32, #tpu.memory_space<vmem>>) dst(%dma_wait3A_283 : memref<320x128xf32, #tpu.memory_space<hbm>>)
    %dma_start3A_288 = arith.constant 1 : i32
    %dma_start3A_289 = arith.constant 1 : i32
    %dma_start3A_290 = arith.constant 0 : i32
    %dma_start3A_291 = arith.constant 0 : i32
    %dma_start3A_292 = tpu.memref_slice %arg7[%dma_start3A_288, %dma_start3A_290, %dma_start3A_291] : memref<3x320x128xf32, #tpu.memory_space<vmem>> -> memref<1x320x128xf32, #tpu.memory_space<vmem>>
    %dma_start3A_293 = tpu.memref_squeeze %dma_start3A_292 : memref<1x320x128xf32, #tpu.memory_space<vmem>> -> memref<320x128xf32, #tpu.memory_space<vmem>>
    %dma_start3A_294 = arith.constant 1280 : i32
    %dma_start3A_295 = tpu.memref_slice %arg6[%dma_start3A_294] : memref<3200xi32, #tpu.memory_space<vmem>> -> memref<320xi32, #tpu.memory_space<vmem>>
    %dma_start3A_296 = arith.constant 0 : i32
    %dma_start3A_297 = arith.constant 0 : i32
    %dma_start3A_298 = tpu.memref_slice %arg8[%dma_start3A_296, %dma_start3A_297] : memref<119x128xf32, #tpu.memory_space<vmem_shared>> -> memref<119x128xf32, #tpu.memory_space<vmem_shared>>
    %dma_start3A_299 = tpu.memref_slice %arg9[%dma_start3A_289] : memref<3x!tpu.dma_semaphore, #tpu.memory_space<semaphore_mem>> -> memref<1x!tpu.dma_semaphore, #tpu.memory_space<semaphore_mem>>
    %dma_start3A_300 = tpu.memref_squeeze %dma_start3A_299 : memref<1x!tpu.dma_semaphore, #tpu.memory_space<semaphore_mem>> -> memref<!tpu.dma_semaphore, #tpu.memory_space<semaphore_mem>>
    tpu.enqueue_indirect_dma source(%dma_start3A_298 : memref<119x128xf32, #tpu.memory_space<vmem_shared>>) target(%dma_start3A_293 : memref<320x128xf32, #tpu.memory_space<vmem>>) offsets(%dma_start3A_295 : memref<320xi32, #tpu.memory_space<vmem>>) semaphore(%dma_start3A_300 : memref<!tpu.dma_semaphore, #tpu.memory_space<semaphore_mem>>)
    %add3A_301 = arith.constant 960 : i32
    %add3A_302 = arith.addi %multiple_of3A, %add3A_301 : i32
    %add3A_303 = arith.constant 960 : i32
    %add3A_304 = arith.addi %multiple_of3A, %add3A_303 : i32
    %dma_start3A_305 = arith.constant 0 : i32
    %dma_start3A_306 = arith.constant 0 : i32
    %dma_start3A_307 = arith.constant 0 : i32
    %dma_start3A_308 = arith.constant 0 : i32
    %dma_start3A_309 = tpu.memref_slice %arg7[%dma_start3A_305, %dma_start3A_307, %dma_start3A_308] : memref<3x320x128xf32, #tpu.memory_space<vmem>> -> memref<1x320x128xf32, #tpu.memory_space<vmem>>
    %dma_start3A_310 = tpu.memref_squeeze %dma_start3A_309 : memref<1x320x128xf32, #tpu.memory_space<vmem>> -> memref<320x128xf32, #tpu.memory_space<vmem>>
    %dma_start3A_311 = arith.constant 0 : i32
    %dma_start3A_312 = tpu.memref_slice %arg4[%add3A_302, %dma_start3A_311] : memref<100000x128xf32, #tpu.memory_space<hbm>> -> memref<320x128xf32, #tpu.memory_space<hbm>>
    %dma_start3A_313 = tpu.memref_slice %arg10[%dma_start3A_306] : memref<3x!tpu.dma_semaphore, #tpu.memory_space<semaphore_mem>> -> memref<1x!tpu.dma_semaphore, #tpu.memory_space<semaphore_mem>>
    %dma_start3A_314 = tpu.memref_squeeze %dma_start3A_313 : memref<1x!tpu.dma_semaphore, #tpu.memory_space<semaphore_mem>> -> memref<!tpu.dma_semaphore, #tpu.memory_space<semaphore_mem>>
    %dma_start3A_315 = arith.constant 0 : i32
    %dma_start3A_316 = tpu.memref_slice %arg4[%add3A_302, %dma_start3A_315] : memref<100000x128xf32, #tpu.memory_space<hbm>> -> memref<320x128xf32, #tpu.memory_space<hbm>>
    %dma_start3A_317 = arith.constant 0 : i32
    %dma_start3A_318 = arith.constant 0 : i32
    %dma_start3A_319 = tpu.memref_slice %arg7[%dma_start3A_305, %dma_start3A_317, %dma_start3A_318] : memref<3x320x128xf32, #tpu.memory_space<vmem>> -> memref<1x320x128xf32, #tpu.memory_space<vmem>>
    %dma_start3A_320 = tpu.memref_squeeze %dma_start3A_319 : memref<1x320x128xf32, #tpu.memory_space<vmem>> -> memref<320x128xf32, #tpu.memory_space<vmem>>
    tpu.enqueue_dma source(%dma_start3A_320 : memref<320x128xf32, #tpu.memory_space<vmem>>) target(%dma_start3A_316 : memref<320x128xf32, #tpu.memory_space<hbm>>) target_semaphore(%dma_start3A_314 : memref<!tpu.dma_semaphore, #tpu.memory_space<semaphore_mem>>)
    %dma_start3A_321 = arith.constant 0 : i32
    %dma_start3A_322 = arith.constant 0 : i32
    %dma_start3A_323 = arith.constant 0 : i32
    %dma_start3A_324 = arith.constant 0 : i32
    %dma_start3A_325 = tpu.memref_slice %arg7[%dma_start3A_321, %dma_start3A_323, %dma_start3A_324] : memref<3x320x128xf32, #tpu.memory_space<vmem>> -> memref<1x320x128xf32, #tpu.memory_space<vmem>>
    %dma_start3A_326 = tpu.memref_squeeze %dma_start3A_325 : memref<1x320x128xf32, #tpu.memory_space<vmem>> -> memref<320x128xf32, #tpu.memory_space<vmem>>
    %dma_start3A_327 = arith.constant 0 : i32
    %dma_start3A_328 = tpu.memref_slice %arg5[%add3A_304, %dma_start3A_327] : memref<100000x128xf32, #tpu.memory_space<hbm>> -> memref<320x128xf32, #tpu.memory_space<hbm>>
    %dma_start3A_329 = tpu.memref_slice %arg10[%dma_start3A_322] : memref<3x!tpu.dma_semaphore, #tpu.memory_space<semaphore_mem>> -> memref<1x!tpu.dma_semaphore, #tpu.memory_space<semaphore_mem>>
    %dma_start3A_330 = tpu.memref_squeeze %dma_start3A_329 : memref<1x!tpu.dma_semaphore, #tpu.memory_space<semaphore_mem>> -> memref<!tpu.dma_semaphore, #tpu.memory_space<semaphore_mem>>
    %dma_start3A_331 = arith.constant 0 : i32
    %dma_start3A_332 = tpu.memref_slice %arg5[%add3A_304, %dma_start3A_331] : memref<100000x128xf32, #tpu.memory_space<hbm>> -> memref<320x128xf32, #tpu.memory_space<hbm>>
    %dma_start3A_333 = arith.constant 0 : i32
    %dma_start3A_334 = arith.constant 0 : i32
    %dma_start3A_335 = tpu.memref_slice %arg7[%dma_start3A_321, %dma_start3A_333, %dma_start3A_334] : memref<3x320x128xf32, #tpu.memory_space<vmem>> -> memref<1x320x128xf32, #tpu.memory_space<vmem>>
    %dma_start3A_336 = tpu.memref_squeeze %dma_start3A_335 : memref<1x320x128xf32, #tpu.memory_space<vmem>> -> memref<320x128xf32, #tpu.memory_space<vmem>>
    tpu.enqueue_dma source(%dma_start3A_336 : memref<320x128xf32, #tpu.memory_space<vmem>>) target(%dma_start3A_332 : memref<320x128xf32, #tpu.memory_space<hbm>>) target_semaphore(%dma_start3A_330 : memref<!tpu.dma_semaphore, #tpu.memory_space<semaphore_mem>>)
    %dma_wait3A_337 = arith.constant 1 : i32
    %dma_wait3A_338 = arith.constant 1 : i32
    %dma_wait3A_339 = arith.constant 0 : i32
    %dma_wait3A_340 = arith.constant 0 : i32
    %dma_wait3A_341 = tpu.memref_slice %arg7[%dma_wait3A_337, %dma_wait3A_339, %dma_wait3A_340] : memref<3x320x128xf32, #tpu.memory_space<vmem>> -> memref<1x320x128xf32, #tpu.memory_space<vmem>>
    %dma_wait3A_342 = tpu.memref_squeeze %dma_wait3A_341 : memref<1x320x128xf32, #tpu.memory_space<vmem>> -> memref<320x128xf32, #tpu.memory_space<vmem>>
    %dma_wait3A_343 = arith.constant 1280 : i32
    %dma_wait3A_344 = tpu.memref_slice %arg6[%dma_wait3A_343] : memref<3200xi32, #tpu.memory_space<vmem>> -> memref<320xi32, #tpu.memory_space<vmem>>
    %dma_wait3A_345 = arith.constant 0 : i32
    %dma_wait3A_346 = arith.constant 0 : i32
    %dma_wait3A_347 = tpu.memref_slice %arg8[%dma_wait3A_345, %dma_wait3A_346] : memref<119x128xf32, #tpu.memory_space<vmem_shared>> -> memref<119x128xf32, #tpu.memory_space<vmem_shared>>
    %dma_wait3A_348 = tpu.memref_slice %arg9[%dma_wait3A_338] : memref<3x!tpu.dma_semaphore, #tpu.memory_space<semaphore_mem>> -> memref<1x!tpu.dma_semaphore, #tpu.memory_space<semaphore_mem>>
    %dma_wait3A_349 = tpu.memref_squeeze %dma_wait3A_348 : memref<1x!tpu.dma_semaphore, #tpu.memory_space<semaphore_mem>> -> memref<!tpu.dma_semaphore, #tpu.memory_space<semaphore_mem>>
    tpu.wait_indirect_dma semaphore(%dma_wait3A_349 : memref<!tpu.dma_semaphore, #tpu.memory_space<semaphore_mem>>) src(%dma_wait3A_347 : memref<119x128xf32, #tpu.memory_space<vmem_shared>>) dst(%dma_wait3A_342 : memref<320x128xf32, #tpu.memory_space<vmem>>)
    %add3A_350 = arith.constant 640 : i32
    %add3A_351 = arith.addi %multiple_of3A, %add3A_350 : i32
    %add3A_352 = arith.constant 640 : i32
    %add3A_353 = arith.addi %multiple_of3A, %add3A_352 : i32
    %dma_wait3A_354 = arith.constant 2 : i32
    %dma_wait3A_355 = arith.constant 2 : i32
    %dma_wait3A_356 = arith.constant 0 : i32
    %dma_wait3A_357 = arith.constant 0 : i32
    %dma_wait3A_358 = tpu.memref_slice %arg7[%dma_wait3A_354, %dma_wait3A_356, %dma_wait3A_357] : memref<3x320x128xf32, #tpu.memory_space<vmem>> -> memref<1x320x128xf32, #tpu.memory_space<vmem>>
    %dma_wait3A_359 = tpu.memref_squeeze %dma_wait3A_358 : memref<1x320x128xf32, #tpu.memory_space<vmem>> -> memref<320x128xf32, #tpu.memory_space<vmem>>
    %dma_wait3A_360 = arith.constant 0 : i32
    %dma_wait3A_361 = tpu.memref_slice %arg4[%add3A_351, %dma_wait3A_360] : memref<100000x128xf32, #tpu.memory_space<hbm>> -> memref<320x128xf32, #tpu.memory_space<hbm>>
    %dma_wait3A_362 = tpu.memref_slice %arg10[%dma_wait3A_355] : memref<3x!tpu.dma_semaphore, #tpu.memory_space<semaphore_mem>> -> memref<1x!tpu.dma_semaphore, #tpu.memory_space<semaphore_mem>>
    %dma_wait3A_363 = tpu.memref_squeeze %dma_wait3A_362 : memref<1x!tpu.dma_semaphore, #tpu.memory_space<semaphore_mem>> -> memref<!tpu.dma_semaphore, #tpu.memory_space<semaphore_mem>>
    %dma_wait3A_364 = arith.constant 0 : i32
    %dma_wait3A_365 = tpu.memref_slice %arg4[%add3A_351, %dma_wait3A_364] : memref<100000x128xf32, #tpu.memory_space<hbm>> -> memref<320x128xf32, #tpu.memory_space<hbm>>
    %dma_wait3A_366 = arith.constant 0 : i32
    %dma_wait3A_367 = arith.constant 0 : i32
    %dma_wait3A_368 = tpu.memref_slice %arg7[%dma_wait3A_354, %dma_wait3A_366, %dma_wait3A_367] : memref<3x320x128xf32, #tpu.memory_space<vmem>> -> memref<1x320x128xf32, #tpu.memory_space<vmem>>
    %dma_wait3A_369 = tpu.memref_squeeze %dma_wait3A_368 : memref<1x320x128xf32, #tpu.memory_space<vmem>> -> memref<320x128xf32, #tpu.memory_space<vmem>>
    tpu.wait_dma2 semaphore(%dma_wait3A_363 : memref<!tpu.dma_semaphore, #tpu.memory_space<semaphore_mem>>) src(%dma_wait3A_369 : memref<320x128xf32, #tpu.memory_space<vmem>>) dst(%dma_wait3A_365 : memref<320x128xf32, #tpu.memory_space<hbm>>)
    %dma_wait3A_370 = arith.constant 2 : i32
    %dma_wait3A_371 = arith.constant 2 : i32
    %dma_wait3A_372 = arith.constant 0 : i32
    %dma_wait3A_373 = arith.constant 0 : i32
    %dma_wait3A_374 = tpu.memref_slice %arg7[%dma_wait3A_370, %dma_wait3A_372, %dma_wait3A_373] : memref<3x320x128xf32, #tpu.memory_space<vmem>> -> memref<1x320x128xf32, #tpu.memory_space<vmem>>
    %dma_wait3A_375 = tpu.memref_squeeze %dma_wait3A_374 : memref<1x320x128xf32, #tpu.memory_space<vmem>> -> memref<320x128xf32, #tpu.memory_space<vmem>>
    %dma_wait3A_376 = arith.constant 0 : i32
    %dma_wait3A_377 = tpu.memref_slice %arg5[%add3A_353, %dma_wait3A_376] : memref<100000x128xf32, #tpu.memory_space<hbm>> -> memref<320x128xf32, #tpu.memory_space<hbm>>
    %dma_wait3A_378 = tpu.memref_slice %arg10[%dma_wait3A_371] : memref<3x!tpu.dma_semaphore, #tpu.memory_space<semaphore_mem>> -> memref<1x!tpu.dma_semaphore, #tpu.memory_space<semaphore_mem>>
    %dma_wait3A_379 = tpu.memref_squeeze %dma_wait3A_378 : memref<1x!tpu.dma_semaphore, #tpu.memory_space<semaphore_mem>> -> memref<!tpu.dma_semaphore, #tpu.memory_space<semaphore_mem>>
    %dma_wait3A_380 = arith.constant 0 : i32
    %dma_wait3A_381 = tpu.memref_slice %arg5[%add3A_353, %dma_wait3A_380] : memref<100000x128xf32, #tpu.memory_space<hbm>> -> memref<320x128xf32, #tpu.memory_space<hbm>>
    %dma_wait3A_382 = arith.constant 0 : i32
    %dma_wait3A_383 = arith.constant 0 : i32
    %dma_wait3A_384 = tpu.memref_slice %arg7[%dma_wait3A_370, %dma_wait3A_382, %dma_wait3A_383] : memref<3x320x128xf32, #tpu.memory_space<vmem>> -> memref<1x320x128xf32, #tpu.memory_space<vmem>>
    %dma_wait3A_385 = tpu.memref_squeeze %dma_wait3A_384 : memref<1x320x128xf32, #tpu.memory_space<vmem>> -> memref<320x128xf32, #tpu.memory_space<vmem>>
    tpu.wait_dma2 semaphore(%dma_wait3A_379 : memref<!tpu.dma_semaphore, #tpu.memory_space<semaphore_mem>>) src(%dma_wait3A_385 : memref<320x128xf32, #tpu.memory_space<vmem>>) dst(%dma_wait3A_381 : memref<320x128xf32, #tpu.memory_space<hbm>>)
    %dma_start3A_386 = arith.constant 2 : i32
    %dma_start3A_387 = arith.constant 2 : i32
    %dma_start3A_388 = arith.constant 0 : i32
    %dma_start3A_389 = arith.constant 0 : i32
    %dma_start3A_390 = tpu.memref_slice %arg7[%dma_start3A_386, %dma_start3A_388, %dma_start3A_389] : memref<3x320x128xf32, #tpu.memory_space<vmem>> -> memref<1x320x128xf32, #tpu.memory_space<vmem>>
    %dma_start3A_391 = tpu.memref_squeeze %dma_start3A_390 : memref<1x320x128xf32, #tpu.memory_space<vmem>> -> memref<320x128xf32, #tpu.memory_space<vmem>>
    %dma_start3A_392 = arith.constant 1600 : i32
    %dma_start3A_393 = tpu.memref_slice %arg6[%dma_start3A_392] : memref<3200xi32, #tpu.memory_space<vmem>> -> memref<320xi32, #tpu.memory_space<vmem>>
    %dma_start3A_394 = arith.constant 0 : i32
    %dma_start3A_395 = arith.constant 0 : i32
    %dma_start3A_396 = tpu.memref_slice %arg8[%dma_start3A_394, %dma_start3A_395] : memref<119x128xf32, #tpu.memory_space<vmem_shared>> -> memref<119x128xf32, #tpu.memory_space<vmem_shared>>
    %dma_start3A_397 = tpu.memref_slice %arg9[%dma_start3A_387] : memref<3x!tpu.dma_semaphore, #tpu.memory_space<semaphore_mem>> -> memref<1x!tpu.dma_semaphore, #tpu.memory_space<semaphore_mem>>
    %dma_start3A_398 = tpu.memref_squeeze %dma_start3A_397 : memref<1x!tpu.dma_semaphore, #tpu.memory_space<semaphore_mem>> -> memref<!tpu.dma_semaphore, #tpu.memory_space<semaphore_mem>>
    tpu.enqueue_indirect_dma source(%dma_start3A_396 : memref<119x128xf32, #tpu.memory_space<vmem_shared>>) target(%dma_start3A_391 : memref<320x128xf32, #tpu.memory_space<vmem>>) offsets(%dma_start3A_393 : memref<320xi32, #tpu.memory_space<vmem>>) semaphore(%dma_start3A_398 : memref<!tpu.dma_semaphore, #tpu.memory_space<semaphore_mem>>)
    %add3A_399 = arith.constant 1280 : i32
    %add3A_400 = arith.addi %multiple_of3A, %add3A_399 : i32
    %add3A_401 = arith.constant 1280 : i32
    %add3A_402 = arith.addi %multiple_of3A, %add3A_401 : i32
    %dma_start3A_403 = arith.constant 1 : i32
    %dma_start3A_404 = arith.constant 1 : i32
    %dma_start3A_405 = arith.constant 0 : i32
    %dma_start3A_406 = arith.constant 0 : i32
    %dma_start3A_407 = tpu.memref_slice %arg7[%dma_start3A_403, %dma_start3A_405, %dma_start3A_406] : memref<3x320x128xf32, #tpu.memory_space<vmem>> -> memref<1x320x128xf32, #tpu.memory_space<vmem>>
    %dma_start3A_408 = tpu.memref_squeeze %dma_start3A_407 : memref<1x320x128xf32, #tpu.memory_space<vmem>> -> memref<320x128xf32, #tpu.memory_space<vmem>>
    %dma_start3A_409 = arith.constant 0 : i32
    %dma_start3A_410 = tpu.memref_slice %arg4[%add3A_400, %dma_start3A_409] : memref<100000x128xf32, #tpu.memory_space<hbm>> -> memref<320x128xf32, #tpu.memory_space<hbm>>
    %dma_start3A_411 = tpu.memref_slice %arg10[%dma_start3A_404] : memref<3x!tpu.dma_semaphore, #tpu.memory_space<semaphore_mem>> -> memref<1x!tpu.dma_semaphore, #tpu.memory_space<semaphore_mem>>
    %dma_start3A_412 = tpu.memref_squeeze %dma_start3A_411 : memref<1x!tpu.dma_semaphore, #tpu.memory_space<semaphore_mem>> -> memref<!tpu.dma_semaphore, #tpu.memory_space<semaphore_mem>>
    %dma_start3A_413 = arith.constant 0 : i32
    %dma_start3A_414 = tpu.memref_slice %arg4[%add3A_400, %dma_start3A_413] : memref<100000x128xf32, #tpu.memory_space<hbm>> -> memref<320x128xf32, #tpu.memory_space<hbm>>
    %dma_start3A_415 = arith.constant 0 : i32
    %dma_start3A_416 = arith.constant 0 : i32
    %dma_start3A_417 = tpu.memref_slice %arg7[%dma_start3A_403, %dma_start3A_415, %dma_start3A_416] : memref<3x320x128xf32, #tpu.memory_space<vmem>> -> memref<1x320x128xf32, #tpu.memory_space<vmem>>
    %dma_start3A_418 = tpu.memref_squeeze %dma_start3A_417 : memref<1x320x128xf32, #tpu.memory_space<vmem>> -> memref<320x128xf32, #tpu.memory_space<vmem>>
    tpu.enqueue_dma source(%dma_start3A_418 : memref<320x128xf32, #tpu.memory_space<vmem>>) target(%dma_start3A_414 : memref<320x128xf32, #tpu.memory_space<hbm>>) target_semaphore(%dma_start3A_412 : memref<!tpu.dma_semaphore, #tpu.memory_space<semaphore_mem>>)
    %dma_start3A_419 = arith.constant 1 : i32
    %dma_start3A_420 = arith.constant 1 : i32
    %dma_start3A_421 = arith.constant 0 : i32
    %dma_start3A_422 = arith.constant 0 : i32
    %dma_start3A_423 = tpu.memref_slice %arg7[%dma_start3A_419, %dma_start3A_421, %dma_start3A_422] : memref<3x320x128xf32, #tpu.memory_space<vmem>> -> memref<1x320x128xf32, #tpu.memory_space<vmem>>
    %dma_start3A_424 = tpu.memref_squeeze %dma_start3A_423 : memref<1x320x128xf32, #tpu.memory_space<vmem>> -> memref<320x128xf32, #tpu.memory_space<vmem>>
    %dma_start3A_425 = arith.constant 0 : i32
    %dma_start3A_426 = tpu.memref_slice %arg5[%add3A_402, %dma_start3A_425] : memref<100000x128xf32, #tpu.memory_space<hbm>> -> memref<320x128xf32, #tpu.memory_space<hbm>>
    %dma_start3A_427 = tpu.memref_slice %arg10[%dma_start3A_420] : memref<3x!tpu.dma_semaphore, #tpu.memory_space<semaphore_mem>> -> memref<1x!tpu.dma_semaphore, #tpu.memory_space<semaphore_mem>>
    %dma_start3A_428 = tpu.memref_squeeze %dma_start3A_427 : memref<1x!tpu.dma_semaphore, #tpu.memory_space<semaphore_mem>> -> memref<!tpu.dma_semaphore, #tpu.memory_space<semaphore_mem>>
    %dma_start3A_429 = arith.constant 0 : i32
    %dma_start3A_430 = tpu.memref_slice %arg5[%add3A_402, %dma_start3A_429] : memref<100000x128xf32, #tpu.memory_space<hbm>> -> memref<320x128xf32, #tpu.memory_space<hbm>>
    %dma_start3A_431 = arith.constant 0 : i32
    %dma_start3A_432 = arith.constant 0 : i32
    %dma_start3A_433 = tpu.memref_slice %arg7[%dma_start3A_419, %dma_start3A_431, %dma_start3A_432] : memref<3x320x128xf32, #tpu.memory_space<vmem>> -> memref<1x320x128xf32, #tpu.memory_space<vmem>>
    %dma_start3A_434 = tpu.memref_squeeze %dma_start3A_433 : memref<1x320x128xf32, #tpu.memory_space<vmem>> -> memref<320x128xf32, #tpu.memory_space<vmem>>
    tpu.enqueue_dma source(%dma_start3A_434 : memref<320x128xf32, #tpu.memory_space<vmem>>) target(%dma_start3A_430 : memref<320x128xf32, #tpu.memory_space<hbm>>) target_semaphore(%dma_start3A_428 : memref<!tpu.dma_semaphore, #tpu.memory_space<semaphore_mem>>)
    %dma_wait3A_435 = arith.constant 2 : i32
    %dma_wait3A_436 = arith.constant 2 : i32
    %dma_wait3A_437 = arith.constant 0 : i32
    %dma_wait3A_438 = arith.constant 0 : i32
    %dma_wait3A_439 = tpu.memref_slice %arg7[%dma_wait3A_435, %dma_wait3A_437, %dma_wait3A_438] : memref<3x320x128xf32, #tpu.memory_space<vmem>> -> memref<1x320x128xf32, #tpu.memory_space<vmem>>
    %dma_wait3A_440 = tpu.memref_squeeze %dma_wait3A_439 : memref<1x320x128xf32, #tpu.memory_space<vmem>> -> memref<320x128xf32, #tpu.memory_space<vmem>>
    %dma_wait3A_441 = arith.constant 1600 : i32
    %dma_wait3A_442 = tpu.memref_slice %arg6[%dma_wait3A_441] : memref<3200xi32, #tpu.memory_space<vmem>> -> memref<320xi32, #tpu.memory_space<vmem>>
    %dma_wait3A_443 = arith.constant 0 : i32
    %dma_wait3A_444 = arith.constant 0 : i32
    %dma_wait3A_445 = tpu.memref_slice %arg8[%dma_wait3A_443, %dma_wait3A_444] : memref<119x128xf32, #tpu.memory_space<vmem_shared>> -> memref<119x128xf32, #tpu.memory_space<vmem_shared>>
    %dma_wait3A_446 = tpu.memref_slice %arg9[%dma_wait3A_436] : memref<3x!tpu.dma_semaphore, #tpu.memory_space<semaphore_mem>> -> memref<1x!tpu.dma_semaphore, #tpu.memory_space<semaphore_mem>>
    %dma_wait3A_447 = tpu.memref_squeeze %dma_wait3A_446 : memref<1x!tpu.dma_semaphore, #tpu.memory_space<semaphore_mem>> -> memref<!tpu.dma_semaphore, #tpu.memory_space<semaphore_mem>>
    tpu.wait_indirect_dma semaphore(%dma_wait3A_447 : memref<!tpu.dma_semaphore, #tpu.memory_space<semaphore_mem>>) src(%dma_wait3A_445 : memref<119x128xf32, #tpu.memory_space<vmem_shared>>) dst(%dma_wait3A_440 : memref<320x128xf32, #tpu.memory_space<vmem>>)
    %add3A_448 = arith.constant 960 : i32
    %add3A_449 = arith.addi %multiple_of3A, %add3A_448 : i32
    %add3A_450 = arith.constant 960 : i32
    %add3A_451 = arith.addi %multiple_of3A, %add3A_450 : i32
    %dma_wait3A_452 = arith.constant 0 : i32
    %dma_wait3A_453 = arith.constant 0 : i32
    %dma_wait3A_454 = arith.constant 0 : i32
    %dma_wait3A_455 = arith.constant 0 : i32
    %dma_wait3A_456 = tpu.memref_slice %arg7[%dma_wait3A_452, %dma_wait3A_454, %dma_wait3A_455] : memref<3x320x128xf32, #tpu.memory_space<vmem>> -> memref<1x320x128xf32, #tpu.memory_space<vmem>>
    %dma_wait3A_457 = tpu.memref_squeeze %dma_wait3A_456 : memref<1x320x128xf32, #tpu.memory_space<vmem>> -> memref<320x128xf32, #tpu.memory_space<vmem>>
    %dma_wait3A_458 = arith.constant 0 : i32
    %dma_wait3A_459 = tpu.memref_slice %arg4[%add3A_449, %dma_wait3A_458] : memref<100000x128xf32, #tpu.memory_space<hbm>> -> memref<320x128xf32, #tpu.memory_space<hbm>>
    %dma_wait3A_460 = tpu.memref_slice %arg10[%dma_wait3A_453] : memref<3x!tpu.dma_semaphore, #tpu.memory_space<semaphore_mem>> -> memref<1x!tpu.dma_semaphore, #tpu.memory_space<semaphore_mem>>
    %dma_wait3A_461 = tpu.memref_squeeze %dma_wait3A_460 : memref<1x!tpu.dma_semaphore, #tpu.memory_space<semaphore_mem>> -> memref<!tpu.dma_semaphore, #tpu.memory_space<semaphore_mem>>
    %dma_wait3A_462 = arith.constant 0 : i32
    %dma_wait3A_463 = tpu.memref_slice %arg4[%add3A_449, %dma_wait3A_462] : memref<100000x128xf32, #tpu.memory_space<hbm>> -> memref<320x128xf32, #tpu.memory_space<hbm>>
    %dma_wait3A_464 = arith.constant 0 : i32
    %dma_wait3A_465 = arith.constant 0 : i32
    %dma_wait3A_466 = tpu.memref_slice %arg7[%dma_wait3A_452, %dma_wait3A_464, %dma_wait3A_465] : memref<3x320x128xf32, #tpu.memory_space<vmem>> -> memref<1x320x128xf32, #tpu.memory_space<vmem>>
    %dma_wait3A_467 = tpu.memref_squeeze %dma_wait3A_466 : memref<1x320x128xf32, #tpu.memory_space<vmem>> -> memref<320x128xf32, #tpu.memory_space<vmem>>
    tpu.wait_dma2 semaphore(%dma_wait3A_461 : memref<!tpu.dma_semaphore, #tpu.memory_space<semaphore_mem>>) src(%dma_wait3A_467 : memref<320x128xf32, #tpu.memory_space<vmem>>) dst(%dma_wait3A_463 : memref<320x128xf32, #tpu.memory_space<hbm>>)
    %dma_wait3A_468 = arith.constant 0 : i32
    %dma_wait3A_469 = arith.constant 0 : i32
    %dma_wait3A_470 = arith.constant 0 : i32
    %dma_wait3A_471 = arith.constant 0 : i32
    %dma_wait3A_472 = tpu.memref_slice %arg7[%dma_wait3A_468, %dma_wait3A_470, %dma_wait3A_471] : memref<3x320x128xf32, #tpu.memory_space<vmem>> -> memref<1x320x128xf32, #tpu.memory_space<vmem>>
    %dma_wait3A_473 = tpu.memref_squeeze %dma_wait3A_472 : memref<1x320x128xf32, #tpu.memory_space<vmem>> -> memref<320x128xf32, #tpu.memory_space<vmem>>
    %dma_wait3A_474 = arith.constant 0 : i32
    %dma_wait3A_475 = tpu.memref_slice %arg5[%add3A_451, %dma_wait3A_474] : memref<100000x128xf32, #tpu.memory_space<hbm>> -> memref<320x128xf32, #tpu.memory_space<hbm>>
    %dma_wait3A_476 = tpu.memref_slice %arg10[%dma_wait3A_469] : memref<3x!tpu.dma_semaphore, #tpu.memory_space<semaphore_mem>> -> memref<1x!tpu.dma_semaphore, #tpu.memory_space<semaphore_mem>>
    %dma_wait3A_477 = tpu.memref_squeeze %dma_wait3A_476 : memref<1x!tpu.dma_semaphore, #tpu.memory_space<semaphore_mem>> -> memref<!tpu.dma_semaphore, #tpu.memory_space<semaphore_mem>>
    %dma_wait3A_478 = arith.constant 0 : i32
    %dma_wait3A_479 = tpu.memref_slice %arg5[%add3A_451, %dma_wait3A_478] : memref<100000x128xf32, #tpu.memory_space<hbm>> -> memref<320x128xf32, #tpu.memory_space<hbm>>
    %dma_wait3A_480 = arith.constant 0 : i32
    %dma_wait3A_481 = arith.constant 0 : i32
    %dma_wait3A_482 = tpu.memref_slice %arg7[%dma_wait3A_468, %dma_wait3A_480, %dma_wait3A_481] : memref<3x320x128xf32, #tpu.memory_space<vmem>> -> memref<1x320x128xf32, #tpu.memory_space<vmem>>
    %dma_wait3A_483 = tpu.memref_squeeze %dma_wait3A_482 : memref<1x320x128xf32, #tpu.memory_space<vmem>> -> memref<320x128xf32, #tpu.memory_space<vmem>>
    tpu.wait_dma2 semaphore(%dma_wait3A_477 : memref<!tpu.dma_semaphore, #tpu.memory_space<semaphore_mem>>) src(%dma_wait3A_483 : memref<320x128xf32, #tpu.memory_space<vmem>>) dst(%dma_wait3A_479 : memref<320x128xf32, #tpu.memory_space<hbm>>)
    %dma_start3A_484 = arith.constant 0 : i32
    %dma_start3A_485 = arith.constant 0 : i32
    %dma_start3A_486 = arith.constant 0 : i32
    %dma_start3A_487 = arith.constant 0 : i32
    %dma_start3A_488 = tpu.memref_slice %arg7[%dma_start3A_484, %dma_start3A_486, %dma_start3A_487] : memref<3x320x128xf32, #tpu.memory_space<vmem>> -> memref<1x320x128xf32, #tpu.memory_space<vmem>>
    %dma_start3A_489 = tpu.memref_squeeze %dma_start3A_488 : memref<1x320x128xf32, #tpu.memory_space<vmem>> -> memref<320x128xf32, #tpu.memory_space<vmem>>
    %dma_start3A_490 = arith.constant 1920 : i32
    %dma_start3A_491 = tpu.memref_slice %arg6[%dma_start3A_490] : memref<3200xi32, #tpu.memory_space<vmem>> -> memref<320xi32, #tpu.memory_space<vmem>>
    %dma_start3A_492 = arith.constant 0 : i32
    %dma_start3A_493 = arith.constant 0 : i32
    %dma_start3A_494 = tpu.memref_slice %arg8[%dma_start3A_492, %dma_start3A_493] : memref<119x128xf32, #tpu.memory_space<vmem_shared>> -> memref<119x128xf32, #tpu.memory_space<vmem_shared>>
    %dma_start3A_495 = tpu.memref_slice %arg9[%dma_start3A_485] : memref<3x!tpu.dma_semaphore, #tpu.memory_space<semaphore_mem>> -> memref<1x!tpu.dma_semaphore, #tpu.memory_space<semaphore_mem>>
    %dma_start3A_496 = tpu.memref_squeeze %dma_start3A_495 : memref<1x!tpu.dma_semaphore, #tpu.memory_space<semaphore_mem>> -> memref<!tpu.dma_semaphore, #tpu.memory_space<semaphore_mem>>
    tpu.enqueue_indirect_dma source(%dma_start3A_494 : memref<119x128xf32, #tpu.memory_space<vmem_shared>>) target(%dma_start3A_489 : memref<320x128xf32, #tpu.memory_space<vmem>>) offsets(%dma_start3A_491 : memref<320xi32, #tpu.memory_space<vmem>>) semaphore(%dma_start3A_496 : memref<!tpu.dma_semaphore, #tpu.memory_space<semaphore_mem>>)
    %add3A_497 = arith.constant 1600 : i32
    %add3A_498 = arith.addi %multiple_of3A, %add3A_497 : i32
    %add3A_499 = arith.constant 1600 : i32
    %add3A_500 = arith.addi %multiple_of3A, %add3A_499 : i32
    %dma_start3A_501 = arith.constant 2 : i32
    %dma_start3A_502 = arith.constant 2 : i32
    %dma_start3A_503 = arith.constant 0 : i32
    %dma_start3A_504 = arith.constant 0 : i32
    %dma_start3A_505 = tpu.memref_slice %arg7[%dma_start3A_501, %dma_start3A_503, %dma_start3A_504] : memref<3x320x128xf32, #tpu.memory_space<vmem>> -> memref<1x320x128xf32, #tpu.memory_space<vmem>>
    %dma_start3A_506 = tpu.memref_squeeze %dma_start3A_505 : memref<1x320x128xf32, #tpu.memory_space<vmem>> -> memref<320x128xf32, #tpu.memory_space<vmem>>
    %dma_start3A_507 = arith.constant 0 : i32
    %dma_start3A_508 = tpu.memref_slice %arg4[%add3A_498, %dma_start3A_507] : memref<100000x128xf32, #tpu.memory_space<hbm>> -> memref<320x128xf32, #tpu.memory_space<hbm>>
    %dma_start3A_509 = tpu.memref_slice %arg10[%dma_start3A_502] : memref<3x!tpu.dma_semaphore, #tpu.memory_space<semaphore_mem>> -> memref<1x!tpu.dma_semaphore, #tpu.memory_space<semaphore_mem>>
    %dma_start3A_510 = tpu.memref_squeeze %dma_start3A_509 : memref<1x!tpu.dma_semaphore, #tpu.memory_space<semaphore_mem>> -> memref<!tpu.dma_semaphore, #tpu.memory_space<semaphore_mem>>
    %dma_start3A_511 = arith.constant 0 : i32
    %dma_start3A_512 = tpu.memref_slice %arg4[%add3A_498, %dma_start3A_511] : memref<100000x128xf32, #tpu.memory_space<hbm>> -> memref<320x128xf32, #tpu.memory_space<hbm>>
    %dma_start3A_513 = arith.constant 0 : i32
    %dma_start3A_514 = arith.constant 0 : i32
    %dma_start3A_515 = tpu.memref_slice %arg7[%dma_start3A_501, %dma_start3A_513, %dma_start3A_514] : memref<3x320x128xf32, #tpu.memory_space<vmem>> -> memref<1x320x128xf32, #tpu.memory_space<vmem>>
    %dma_start3A_516 = tpu.memref_squeeze %dma_start3A_515 : memref<1x320x128xf32, #tpu.memory_space<vmem>> -> memref<320x128xf32, #tpu.memory_space<vmem>>
    tpu.enqueue_dma source(%dma_start3A_516 : memref<320x128xf32, #tpu.memory_space<vmem>>) target(%dma_start3A_512 : memref<320x128xf32, #tpu.memory_space<hbm>>) target_semaphore(%dma_start3A_510 : memref<!tpu.dma_semaphore, #tpu.memory_space<semaphore_mem>>)
    %dma_start3A_517 = arith.constant 2 : i32
    %dma_start3A_518 = arith.constant 2 : i32
    %dma_start3A_519 = arith.constant 0 : i32
    %dma_start3A_520 = arith.constant 0 : i32
    %dma_start3A_521 = tpu.memref_slice %arg7[%dma_start3A_517, %dma_start3A_519, %dma_start3A_520] : memref<3x320x128xf32, #tpu.memory_space<vmem>> -> memref<1x320x128xf32, #tpu.memory_space<vmem>>
    %dma_start3A_522 = tpu.memref_squeeze %dma_start3A_521 : memref<1x320x128xf32, #tpu.memory_space<vmem>> -> memref<320x128xf32, #tpu.memory_space<vmem>>
    %dma_start3A_523 = arith.constant 0 : i32
    %dma_start3A_524 = tpu.memref_slice %arg5[%add3A_500, %dma_start3A_523] : memref<100000x128xf32, #tpu.memory_space<hbm>> -> memref<320x128xf32, #tpu.memory_space<hbm>>
    %dma_start3A_525 = tpu.memref_slice %arg10[%dma_start3A_518] : memref<3x!tpu.dma_semaphore, #tpu.memory_space<semaphore_mem>> -> memref<1x!tpu.dma_semaphore, #tpu.memory_space<semaphore_mem>>
    %dma_start3A_526 = tpu.memref_squeeze %dma_start3A_525 : memref<1x!tpu.dma_semaphore, #tpu.memory_space<semaphore_mem>> -> memref<!tpu.dma_semaphore, #tpu.memory_space<semaphore_mem>>
    %dma_start3A_527 = arith.constant 0 : i32
    %dma_start3A_528 = tpu.memref_slice %arg5[%add3A_500, %dma_start3A_527] : memref<100000x128xf32, #tpu.memory_space<hbm>> -> memref<320x128xf32, #tpu.memory_space<hbm>>
    %dma_start3A_529 = arith.constant 0 : i32
    %dma_start3A_530 = arith.constant 0 : i32
    %dma_start3A_531 = tpu.memref_slice %arg7[%dma_start3A_517, %dma_start3A_529, %dma_start3A_530] : memref<3x320x128xf32, #tpu.memory_space<vmem>> -> memref<1x320x128xf32, #tpu.memory_space<vmem>>
    %dma_start3A_532 = tpu.memref_squeeze %dma_start3A_531 : memref<1x320x128xf32, #tpu.memory_space<vmem>> -> memref<320x128xf32, #tpu.memory_space<vmem>>
    tpu.enqueue_dma source(%dma_start3A_532 : memref<320x128xf32, #tpu.memory_space<vmem>>) target(%dma_start3A_528 : memref<320x128xf32, #tpu.memory_space<hbm>>) target_semaphore(%dma_start3A_526 : memref<!tpu.dma_semaphore, #tpu.memory_space<semaphore_mem>>)
    %dma_wait3A_533 = arith.constant 0 : i32
    %dma_wait3A_534 = arith.constant 0 : i32
    %dma_wait3A_535 = arith.constant 0 : i32
    %dma_wait3A_536 = arith.constant 0 : i32
    %dma_wait3A_537 = tpu.memref_slice %arg7[%dma_wait3A_533, %dma_wait3A_535, %dma_wait3A_536] : memref<3x320x128xf32, #tpu.memory_space<vmem>> -> memref<1x320x128xf32, #tpu.memory_space<vmem>>
    %dma_wait3A_538 = tpu.memref_squeeze %dma_wait3A_537 : memref<1x320x128xf32, #tpu.memory_space<vmem>> -> memref<320x128xf32, #tpu.memory_space<vmem>>
    %dma_wait3A_539 = arith.constant 1920 : i32
    %dma_wait3A_540 = tpu.memref_slice %arg6[%dma_wait3A_539] : memref<3200xi32, #tpu.memory_space<vmem>> -> memref<320xi32, #tpu.memory_space<vmem>>
    %dma_wait3A_541 = arith.constant 0 : i32
    %dma_wait3A_542 = arith.constant 0 : i32
    %dma_wait3A_543 = tpu.memref_slice %arg8[%dma_wait3A_541, %dma_wait3A_542] : memref<119x128xf32, #tpu.memory_space<vmem_shared>> -> memref<119x128xf32, #tpu.memory_space<vmem_shared>>
    %dma_wait3A_544 = tpu.memref_slice %arg9[%dma_wait3A_534] : memref<3x!tpu.dma_semaphore, #tpu.memory_space<semaphore_mem>> -> memref<1x!tpu.dma_semaphore, #tpu.memory_space<semaphore_mem>>
    %dma_wait3A_545 = tpu.memref_squeeze %dma_wait3A_544 : memref<1x!tpu.dma_semaphore, #tpu.memory_space<semaphore_mem>> -> memref<!tpu.dma_semaphore, #tpu.memory_space<semaphore_mem>>
    tpu.wait_indirect_dma semaphore(%dma_wait3A_545 : memref<!tpu.dma_semaphore, #tpu.memory_space<semaphore_mem>>) src(%dma_wait3A_543 : memref<119x128xf32, #tpu.memory_space<vmem_shared>>) dst(%dma_wait3A_538 : memref<320x128xf32, #tpu.memory_space<vmem>>)
    %add3A_546 = arith.constant 1280 : i32
    %add3A_547 = arith.addi %multiple_of3A, %add3A_546 : i32
    %add3A_548 = arith.constant 1280 : i32
    %add3A_549 = arith.addi %multiple_of3A, %add3A_548 : i32
    %dma_wait3A_550 = arith.constant 1 : i32
    %dma_wait3A_551 = arith.constant 1 : i32
    %dma_wait3A_552 = arith.constant 0 : i32
    %dma_wait3A_553 = arith.constant 0 : i32
    %dma_wait3A_554 = tpu.memref_slice %arg7[%dma_wait3A_550, %dma_wait3A_552, %dma_wait3A_553] : memref<3x320x128xf32, #tpu.memory_space<vmem>> -> memref<1x320x128xf32, #tpu.memory_space<vmem>>
    %dma_wait3A_555 = tpu.memref_squeeze %dma_wait3A_554 : memref<1x320x128xf32, #tpu.memory_space<vmem>> -> memref<320x128xf32, #tpu.memory_space<vmem>>
    %dma_wait3A_556 = arith.constant 0 : i32
    %dma_wait3A_557 = tpu.memref_slice %arg4[%add3A_547, %dma_wait3A_556] : memref<100000x128xf32, #tpu.memory_space<hbm>> -> memref<320x128xf32, #tpu.memory_space<hbm>>
    %dma_wait3A_558 = tpu.memref_slice %arg10[%dma_wait3A_551] : memref<3x!tpu.dma_semaphore, #tpu.memory_space<semaphore_mem>> -> memref<1x!tpu.dma_semaphore, #tpu.memory_space<semaphore_mem>>
    %dma_wait3A_559 = tpu.memref_squeeze %dma_wait3A_558 : memref<1x!tpu.dma_semaphore, #tpu.memory_space<semaphore_mem>> -> memref<!tpu.dma_semaphore, #tpu.memory_space<semaphore_mem>>
    %dma_wait3A_560 = arith.constant 0 : i32
    %dma_wait3A_561 = tpu.memref_slice %arg4[%add3A_547, %dma_wait3A_560] : memref<100000x128xf32, #tpu.memory_space<hbm>> -> memref<320x128xf32, #tpu.memory_space<hbm>>
    %dma_wait3A_562 = arith.constant 0 : i32
    %dma_wait3A_563 = arith.constant 0 : i32
    %dma_wait3A_564 = tpu.memref_slice %arg7[%dma_wait3A_550, %dma_wait3A_562, %dma_wait3A_563] : memref<3x320x128xf32, #tpu.memory_space<vmem>> -> memref<1x320x128xf32, #tpu.memory_space<vmem>>
    %dma_wait3A_565 = tpu.memref_squeeze %dma_wait3A_564 : memref<1x320x128xf32, #tpu.memory_space<vmem>> -> memref<320x128xf32, #tpu.memory_space<vmem>>
    tpu.wait_dma2 semaphore(%dma_wait3A_559 : memref<!tpu.dma_semaphore, #tpu.memory_space<semaphore_mem>>) src(%dma_wait3A_565 : memref<320x128xf32, #tpu.memory_space<vmem>>) dst(%dma_wait3A_561 : memref<320x128xf32, #tpu.memory_space<hbm>>)
    %dma_wait3A_566 = arith.constant 1 : i32
    %dma_wait3A_567 = arith.constant 1 : i32
    %dma_wait3A_568 = arith.constant 0 : i32
    %dma_wait3A_569 = arith.constant 0 : i32
    %dma_wait3A_570 = tpu.memref_slice %arg7[%dma_wait3A_566, %dma_wait3A_568, %dma_wait3A_569] : memref<3x320x128xf32, #tpu.memory_space<vmem>> -> memref<1x320x128xf32, #tpu.memory_space<vmem>>
    %dma_wait3A_571 = tpu.memref_squeeze %dma_wait3A_570 : memref<1x320x128xf32, #tpu.memory_space<vmem>> -> memref<320x128xf32, #tpu.memory_space<vmem>>
    %dma_wait3A_572 = arith.constant 0 : i32
    %dma_wait3A_573 = tpu.memref_slice %arg5[%add3A_549, %dma_wait3A_572] : memref<100000x128xf32, #tpu.memory_space<hbm>> -> memref<320x128xf32, #tpu.memory_space<hbm>>
    %dma_wait3A_574 = tpu.memref_slice %arg10[%dma_wait3A_567] : memref<3x!tpu.dma_semaphore, #tpu.memory_space<semaphore_mem>> -> memref<1x!tpu.dma_semaphore, #tpu.memory_space<semaphore_mem>>
    %dma_wait3A_575 = tpu.memref_squeeze %dma_wait3A_574 : memref<1x!tpu.dma_semaphore, #tpu.memory_space<semaphore_mem>> -> memref<!tpu.dma_semaphore, #tpu.memory_space<semaphore_mem>>
    %dma_wait3A_576 = arith.constant 0 : i32
    %dma_wait3A_577 = tpu.memref_slice %arg5[%add3A_549, %dma_wait3A_576] : memref<100000x128xf32, #tpu.memory_space<hbm>> -> memref<320x128xf32, #tpu.memory_space<hbm>>
    %dma_wait3A_578 = arith.constant 0 : i32
    %dma_wait3A_579 = arith.constant 0 : i32
    %dma_wait3A_580 = tpu.memref_slice %arg7[%dma_wait3A_566, %dma_wait3A_578, %dma_wait3A_579] : memref<3x320x128xf32, #tpu.memory_space<vmem>> -> memref<1x320x128xf32, #tpu.memory_space<vmem>>
    %dma_wait3A_581 = tpu.memref_squeeze %dma_wait3A_580 : memref<1x320x128xf32, #tpu.memory_space<vmem>> -> memref<320x128xf32, #tpu.memory_space<vmem>>
    tpu.wait_dma2 semaphore(%dma_wait3A_575 : memref<!tpu.dma_semaphore, #tpu.memory_space<semaphore_mem>>) src(%dma_wait3A_581 : memref<320x128xf32, #tpu.memory_space<vmem>>) dst(%dma_wait3A_577 : memref<320x128xf32, #tpu.memory_space<hbm>>)
    %dma_start3A_582 = arith.constant 1 : i32
    %dma_start3A_583 = arith.constant 1 : i32
    %dma_start3A_584 = arith.constant 0 : i32
    %dma_start3A_585 = arith.constant 0 : i32
    %dma_start3A_586 = tpu.memref_slice %arg7[%dma_start3A_582, %dma_start3A_584, %dma_start3A_585] : memref<3x320x128xf32, #tpu.memory_space<vmem>> -> memref<1x320x128xf32, #tpu.memory_space<vmem>>
    %dma_start3A_587 = tpu.memref_squeeze %dma_start3A_586 : memref<1x320x128xf32, #tpu.memory_space<vmem>> -> memref<320x128xf32, #tpu.memory_space<vmem>>
    %dma_start3A_588 = arith.constant 2240 : i32
    %dma_start3A_589 = tpu.memref_slice %arg6[%dma_start3A_588] : memref<3200xi32, #tpu.memory_space<vmem>> -> memref<320xi32, #tpu.memory_space<vmem>>
    %dma_start3A_590 = arith.constant 0 : i32
    %dma_start3A_591 = arith.constant 0 : i32
    %dma_start3A_592 = tpu.memref_slice %arg8[%dma_start3A_590, %dma_start3A_591] : memref<119x128xf32, #tpu.memory_space<vmem_shared>> -> memref<119x128xf32, #tpu.memory_space<vmem_shared>>
    %dma_start3A_593 = tpu.memref_slice %arg9[%dma_start3A_583] : memref<3x!tpu.dma_semaphore, #tpu.memory_space<semaphore_mem>> -> memref<1x!tpu.dma_semaphore, #tpu.memory_space<semaphore_mem>>
    %dma_start3A_594 = tpu.memref_squeeze %dma_start3A_593 : memref<1x!tpu.dma_semaphore, #tpu.memory_space<semaphore_mem>> -> memref<!tpu.dma_semaphore, #tpu.memory_space<semaphore_mem>>
    tpu.enqueue_indirect_dma source(%dma_start3A_592 : memref<119x128xf32, #tpu.memory_space<vmem_shared>>) target(%dma_start3A_587 : memref<320x128xf32, #tpu.memory_space<vmem>>) offsets(%dma_start3A_589 : memref<320xi32, #tpu.memory_space<vmem>>) semaphore(%dma_start3A_594 : memref<!tpu.dma_semaphore, #tpu.memory_space<semaphore_mem>>)
    %add3A_595 = arith.constant 1920 : i32
    %add3A_596 = arith.addi %multiple_of3A, %add3A_595 : i32
    %add3A_597 = arith.constant 1920 : i32
    %add3A_598 = arith.addi %multiple_of3A, %add3A_597 : i32
    %dma_start3A_599 = arith.constant 0 : i32
    %dma_start3A_600 = arith.constant 0 : i32
    %dma_start3A_601 = arith.constant 0 : i32
    %dma_start3A_602 = arith.constant 0 : i32
    %dma_start3A_603 = tpu.memref_slice %arg7[%dma_start3A_599, %dma_start3A_601, %dma_start3A_602] : memref<3x320x128xf32, #tpu.memory_space<vmem>> -> memref<1x320x128xf32, #tpu.memory_space<vmem>>
    %dma_start3A_604 = tpu.memref_squeeze %dma_start3A_603 : memref<1x320x128xf32, #tpu.memory_space<vmem>> -> memref<320x128xf32, #tpu.memory_space<vmem>>
    %dma_start3A_605 = arith.constant 0 : i32
    %dma_start3A_606 = tpu.memref_slice %arg4[%add3A_596, %dma_start3A_605] : memref<100000x128xf32, #tpu.memory_space<hbm>> -> memref<320x128xf32, #tpu.memory_space<hbm>>
    %dma_start3A_607 = tpu.memref_slice %arg10[%dma_start3A_600] : memref<3x!tpu.dma_semaphore, #tpu.memory_space<semaphore_mem>> -> memref<1x!tpu.dma_semaphore, #tpu.memory_space<semaphore_mem>>
    %dma_start3A_608 = tpu.memref_squeeze %dma_start3A_607 : memref<1x!tpu.dma_semaphore, #tpu.memory_space<semaphore_mem>> -> memref<!tpu.dma_semaphore, #tpu.memory_space<semaphore_mem>>
    %dma_start3A_609 = arith.constant 0 : i32
    %dma_start3A_610 = tpu.memref_slice %arg4[%add3A_596, %dma_start3A_609] : memref<100000x128xf32, #tpu.memory_space<hbm>> -> memref<320x128xf32, #tpu.memory_space<hbm>>
    %dma_start3A_611 = arith.constant 0 : i32
    %dma_start3A_612 = arith.constant 0 : i32
    %dma_start3A_613 = tpu.memref_slice %arg7[%dma_start3A_599, %dma_start3A_611, %dma_start3A_612] : memref<3x320x128xf32, #tpu.memory_space<vmem>> -> memref<1x320x128xf32, #tpu.memory_space<vmem>>
    %dma_start3A_614 = tpu.memref_squeeze %dma_start3A_613 : memref<1x320x128xf32, #tpu.memory_space<vmem>> -> memref<320x128xf32, #tpu.memory_space<vmem>>
    tpu.enqueue_dma source(%dma_start3A_614 : memref<320x128xf32, #tpu.memory_space<vmem>>) target(%dma_start3A_610 : memref<320x128xf32, #tpu.memory_space<hbm>>) target_semaphore(%dma_start3A_608 : memref<!tpu.dma_semaphore, #tpu.memory_space<semaphore_mem>>)
    %dma_start3A_615 = arith.constant 0 : i32
    %dma_start3A_616 = arith.constant 0 : i32
    %dma_start3A_617 = arith.constant 0 : i32
    %dma_start3A_618 = arith.constant 0 : i32
    %dma_start3A_619 = tpu.memref_slice %arg7[%dma_start3A_615, %dma_start3A_617, %dma_start3A_618] : memref<3x320x128xf32, #tpu.memory_space<vmem>> -> memref<1x320x128xf32, #tpu.memory_space<vmem>>
    %dma_start3A_620 = tpu.memref_squeeze %dma_start3A_619 : memref<1x320x128xf32, #tpu.memory_space<vmem>> -> memref<320x128xf32, #tpu.memory_space<vmem>>
    %dma_start3A_621 = arith.constant 0 : i32
    %dma_start3A_622 = tpu.memref_slice %arg5[%add3A_598, %dma_start3A_621] : memref<100000x128xf32, #tpu.memory_space<hbm>> -> memref<320x128xf32, #tpu.memory_space<hbm>>
    %dma_start3A_623 = tpu.memref_slice %arg10[%dma_start3A_616] : memref<3x!tpu.dma_semaphore, #tpu.memory_space<semaphore_mem>> -> memref<1x!tpu.dma_semaphore, #tpu.memory_space<semaphore_mem>>
    %dma_start3A_624 = tpu.memref_squeeze %dma_start3A_623 : memref<1x!tpu.dma_semaphore, #tpu.memory_space<semaphore_mem>> -> memref<!tpu.dma_semaphore, #tpu.memory_space<semaphore_mem>>
    %dma_start3A_625 = arith.constant 0 : i32
    %dma_start3A_626 = tpu.memref_slice %arg5[%add3A_598, %dma_start3A_625] : memref<100000x128xf32, #tpu.memory_space<hbm>> -> memref<320x128xf32, #tpu.memory_space<hbm>>
    %dma_start3A_627 = arith.constant 0 : i32
    %dma_start3A_628 = arith.constant 0 : i32
    %dma_start3A_629 = tpu.memref_slice %arg7[%dma_start3A_615, %dma_start3A_627, %dma_start3A_628] : memref<3x320x128xf32, #tpu.memory_space<vmem>> -> memref<1x320x128xf32, #tpu.memory_space<vmem>>
    %dma_start3A_630 = tpu.memref_squeeze %dma_start3A_629 : memref<1x320x128xf32, #tpu.memory_space<vmem>> -> memref<320x128xf32, #tpu.memory_space<vmem>>
    tpu.enqueue_dma source(%dma_start3A_630 : memref<320x128xf32, #tpu.memory_space<vmem>>) target(%dma_start3A_626 : memref<320x128xf32, #tpu.memory_space<hbm>>) target_semaphore(%dma_start3A_624 : memref<!tpu.dma_semaphore, #tpu.memory_space<semaphore_mem>>)
    %dma_wait3A_631 = arith.constant 1 : i32
    %dma_wait3A_632 = arith.constant 1 : i32
    %dma_wait3A_633 = arith.constant 0 : i32
    %dma_wait3A_634 = arith.constant 0 : i32
    %dma_wait3A_635 = tpu.memref_slice %arg7[%dma_wait3A_631, %dma_wait3A_633, %dma_wait3A_634] : memref<3x320x128xf32, #tpu.memory_space<vmem>> -> memref<1x320x128xf32, #tpu.memory_space<vmem>>
    %dma_wait3A_636 = tpu.memref_squeeze %dma_wait3A_635 : memref<1x320x128xf32, #tpu.memory_space<vmem>> -> memref<320x128xf32, #tpu.memory_space<vmem>>
    %dma_wait3A_637 = arith.constant 2240 : i32
    %dma_wait3A_638 = tpu.memref_slice %arg6[%dma_wait3A_637] : memref<3200xi32, #tpu.memory_space<vmem>> -> memref<320xi32, #tpu.memory_space<vmem>>
    %dma_wait3A_639 = arith.constant 0 : i32
    %dma_wait3A_640 = arith.constant 0 : i32
    %dma_wait3A_641 = tpu.memref_slice %arg8[%dma_wait3A_639, %dma_wait3A_640] : memref<119x128xf32, #tpu.memory_space<vmem_shared>> -> memref<119x128xf32, #tpu.memory_space<vmem_shared>>
    %dma_wait3A_642 = tpu.memref_slice %arg9[%dma_wait3A_632] : memref<3x!tpu.dma_semaphore, #tpu.memory_space<semaphore_mem>> -> memref<1x!tpu.dma_semaphore, #tpu.memory_space<semaphore_mem>>
    %dma_wait3A_643 = tpu.memref_squeeze %dma_wait3A_642 : memref<1x!tpu.dma_semaphore, #tpu.memory_space<semaphore_mem>> -> memref<!tpu.dma_semaphore, #tpu.memory_space<semaphore_mem>>
    tpu.wait_indirect_dma semaphore(%dma_wait3A_643 : memref<!tpu.dma_semaphore, #tpu.memory_space<semaphore_mem>>) src(%dma_wait3A_641 : memref<119x128xf32, #tpu.memory_space<vmem_shared>>) dst(%dma_wait3A_636 : memref<320x128xf32, #tpu.memory_space<vmem>>)
    %add3A_644 = arith.constant 1600 : i32
    %add3A_645 = arith.addi %multiple_of3A, %add3A_644 : i32
    %add3A_646 = arith.constant 1600 : i32
    %add3A_647 = arith.addi %multiple_of3A, %add3A_646 : i32
    %dma_wait3A_648 = arith.constant 2 : i32
    %dma_wait3A_649 = arith.constant 2 : i32
    %dma_wait3A_650 = arith.constant 0 : i32
    %dma_wait3A_651 = arith.constant 0 : i32
    %dma_wait3A_652 = tpu.memref_slice %arg7[%dma_wait3A_648, %dma_wait3A_650, %dma_wait3A_651] : memref<3x320x128xf32, #tpu.memory_space<vmem>> -> memref<1x320x128xf32, #tpu.memory_space<vmem>>
    %dma_wait3A_653 = tpu.memref_squeeze %dma_wait3A_652 : memref<1x320x128xf32, #tpu.memory_space<vmem>> -> memref<320x128xf32, #tpu.memory_space<vmem>>
    %dma_wait3A_654 = arith.constant 0 : i32
    %dma_wait3A_655 = tpu.memref_slice %arg4[%add3A_645, %dma_wait3A_654] : memref<100000x128xf32, #tpu.memory_space<hbm>> -> memref<320x128xf32, #tpu.memory_space<hbm>>
    %dma_wait3A_656 = tpu.memref_slice %arg10[%dma_wait3A_649] : memref<3x!tpu.dma_semaphore, #tpu.memory_space<semaphore_mem>> -> memref<1x!tpu.dma_semaphore, #tpu.memory_space<semaphore_mem>>
    %dma_wait3A_657 = tpu.memref_squeeze %dma_wait3A_656 : memref<1x!tpu.dma_semaphore, #tpu.memory_space<semaphore_mem>> -> memref<!tpu.dma_semaphore, #tpu.memory_space<semaphore_mem>>
    %dma_wait3A_658 = arith.constant 0 : i32
    %dma_wait3A_659 = tpu.memref_slice %arg4[%add3A_645, %dma_wait3A_658] : memref<100000x128xf32, #tpu.memory_space<hbm>> -> memref<320x128xf32, #tpu.memory_space<hbm>>
    %dma_wait3A_660 = arith.constant 0 : i32
    %dma_wait3A_661 = arith.constant 0 : i32
    %dma_wait3A_662 = tpu.memref_slice %arg7[%dma_wait3A_648, %dma_wait3A_660, %dma_wait3A_661] : memref<3x320x128xf32, #tpu.memory_space<vmem>> -> memref<1x320x128xf32, #tpu.memory_space<vmem>>
    %dma_wait3A_663 = tpu.memref_squeeze %dma_wait3A_662 : memref<1x320x128xf32, #tpu.memory_space<vmem>> -> memref<320x128xf32, #tpu.memory_space<vmem>>
    tpu.wait_dma2 semaphore(%dma_wait3A_657 : memref<!tpu.dma_semaphore, #tpu.memory_space<semaphore_mem>>) src(%dma_wait3A_663 : memref<320x128xf32, #tpu.memory_space<vmem>>) dst(%dma_wait3A_659 : memref<320x128xf32, #tpu.memory_space<hbm>>)
    %dma_wait3A_664 = arith.constant 2 : i32
    %dma_wait3A_665 = arith.constant 2 : i32
    %dma_wait3A_666 = arith.constant 0 : i32
    %dma_wait3A_667 = arith.constant 0 : i32
    %dma_wait3A_668 = tpu.memref_slice %arg7[%dma_wait3A_664, %dma_wait3A_666, %dma_wait3A_667] : memref<3x320x128xf32, #tpu.memory_space<vmem>> -> memref<1x320x128xf32, #tpu.memory_space<vmem>>
    %dma_wait3A_669 = tpu.memref_squeeze %dma_wait3A_668 : memref<1x320x128xf32, #tpu.memory_space<vmem>> -> memref<320x128xf32, #tpu.memory_space<vmem>>
    %dma_wait3A_670 = arith.constant 0 : i32
    %dma_wait3A_671 = tpu.memref_slice %arg5[%add3A_647, %dma_wait3A_670] : memref<100000x128xf32, #tpu.memory_space<hbm>> -> memref<320x128xf32, #tpu.memory_space<hbm>>
    %dma_wait3A_672 = tpu.memref_slice %arg10[%dma_wait3A_665] : memref<3x!tpu.dma_semaphore, #tpu.memory_space<semaphore_mem>> -> memref<1x!tpu.dma_semaphore, #tpu.memory_space<semaphore_mem>>
    %dma_wait3A_673 = tpu.memref_squeeze %dma_wait3A_672 : memref<1x!tpu.dma_semaphore, #tpu.memory_space<semaphore_mem>> -> memref<!tpu.dma_semaphore, #tpu.memory_space<semaphore_mem>>
    %dma_wait3A_674 = arith.constant 0 : i32
    %dma_wait3A_675 = tpu.memref_slice %arg5[%add3A_647, %dma_wait3A_674] : memref<100000x128xf32, #tpu.memory_space<hbm>> -> memref<320x128xf32, #tpu.memory_space<hbm>>
    %dma_wait3A_676 = arith.constant 0 : i32
    %dma_wait3A_677 = arith.constant 0 : i32
    %dma_wait3A_678 = tpu.memref_slice %arg7[%dma_wait3A_664, %dma_wait3A_676, %dma_wait3A_677] : memref<3x320x128xf32, #tpu.memory_space<vmem>> -> memref<1x320x128xf32, #tpu.memory_space<vmem>>
    %dma_wait3A_679 = tpu.memref_squeeze %dma_wait3A_678 : memref<1x320x128xf32, #tpu.memory_space<vmem>> -> memref<320x128xf32, #tpu.memory_space<vmem>>
    tpu.wait_dma2 semaphore(%dma_wait3A_673 : memref<!tpu.dma_semaphore, #tpu.memory_space<semaphore_mem>>) src(%dma_wait3A_679 : memref<320x128xf32, #tpu.memory_space<vmem>>) dst(%dma_wait3A_675 : memref<320x128xf32, #tpu.memory_space<hbm>>)
    %dma_start3A_680 = arith.constant 2 : i32
    %dma_start3A_681 = arith.constant 2 : i32
    %dma_start3A_682 = arith.constant 0 : i32
    %dma_start3A_683 = arith.constant 0 : i32
    %dma_start3A_684 = tpu.memref_slice %arg7[%dma_start3A_680, %dma_start3A_682, %dma_start3A_683] : memref<3x320x128xf32, #tpu.memory_space<vmem>> -> memref<1x320x128xf32, #tpu.memory_space<vmem>>
    %dma_start3A_685 = tpu.memref_squeeze %dma_start3A_684 : memref<1x320x128xf32, #tpu.memory_space<vmem>> -> memref<320x128xf32, #tpu.memory_space<vmem>>
    %dma_start3A_686 = arith.constant 2560 : i32
    %dma_start3A_687 = tpu.memref_slice %arg6[%dma_start3A_686] : memref<3200xi32, #tpu.memory_space<vmem>> -> memref<320xi32, #tpu.memory_space<vmem>>
    %dma_start3A_688 = arith.constant 0 : i32
    %dma_start3A_689 = arith.constant 0 : i32
    %dma_start3A_690 = tpu.memref_slice %arg8[%dma_start3A_688, %dma_start3A_689] : memref<119x128xf32, #tpu.memory_space<vmem_shared>> -> memref<119x128xf32, #tpu.memory_space<vmem_shared>>
    %dma_start3A_691 = tpu.memref_slice %arg9[%dma_start3A_681] : memref<3x!tpu.dma_semaphore, #tpu.memory_space<semaphore_mem>> -> memref<1x!tpu.dma_semaphore, #tpu.memory_space<semaphore_mem>>
    %dma_start3A_692 = tpu.memref_squeeze %dma_start3A_691 : memref<1x!tpu.dma_semaphore, #tpu.memory_space<semaphore_mem>> -> memref<!tpu.dma_semaphore, #tpu.memory_space<semaphore_mem>>
    tpu.enqueue_indirect_dma source(%dma_start3A_690 : memref<119x128xf32, #tpu.memory_space<vmem_shared>>) target(%dma_start3A_685 : memref<320x128xf32, #tpu.memory_space<vmem>>) offsets(%dma_start3A_687 : memref<320xi32, #tpu.memory_space<vmem>>) semaphore(%dma_start3A_692 : memref<!tpu.dma_semaphore, #tpu.memory_space<semaphore_mem>>)
    %add3A_693 = arith.constant 2240 : i32
    %add3A_694 = arith.addi %multiple_of3A, %add3A_693 : i32
    %add3A_695 = arith.constant 2240 : i32
    %add3A_696 = arith.addi %multiple_of3A, %add3A_695 : i32
    %dma_start3A_697 = arith.constant 1 : i32
    %dma_start3A_698 = arith.constant 1 : i32
    %dma_start3A_699 = arith.constant 0 : i32
    %dma_start3A_700 = arith.constant 0 : i32
    %dma_start3A_701 = tpu.memref_slice %arg7[%dma_start3A_697, %dma_start3A_699, %dma_start3A_700] : memref<3x320x128xf32, #tpu.memory_space<vmem>> -> memref<1x320x128xf32, #tpu.memory_space<vmem>>
    %dma_start3A_702 = tpu.memref_squeeze %dma_start3A_701 : memref<1x320x128xf32, #tpu.memory_space<vmem>> -> memref<320x128xf32, #tpu.memory_space<vmem>>
    %dma_start3A_703 = arith.constant 0 : i32
    %dma_start3A_704 = tpu.memref_slice %arg4[%add3A_694, %dma_start3A_703] : memref<100000x128xf32, #tpu.memory_space<hbm>> -> memref<320x128xf32, #tpu.memory_space<hbm>>
    %dma_start3A_705 = tpu.memref_slice %arg10[%dma_start3A_698] : memref<3x!tpu.dma_semaphore, #tpu.memory_space<semaphore_mem>> -> memref<1x!tpu.dma_semaphore, #tpu.memory_space<semaphore_mem>>
    %dma_start3A_706 = tpu.memref_squeeze %dma_start3A_705 : memref<1x!tpu.dma_semaphore, #tpu.memory_space<semaphore_mem>> -> memref<!tpu.dma_semaphore, #tpu.memory_space<semaphore_mem>>
    %dma_start3A_707 = arith.constant 0 : i32
    %dma_start3A_708 = tpu.memref_slice %arg4[%add3A_694, %dma_start3A_707] : memref<100000x128xf32, #tpu.memory_space<hbm>> -> memref<320x128xf32, #tpu.memory_space<hbm>>
    %dma_start3A_709 = arith.constant 0 : i32
    %dma_start3A_710 = arith.constant 0 : i32
    %dma_start3A_711 = tpu.memref_slice %arg7[%dma_start3A_697, %dma_start3A_709, %dma_start3A_710] : memref<3x320x128xf32, #tpu.memory_space<vmem>> -> memref<1x320x128xf32, #tpu.memory_space<vmem>>
    %dma_start3A_712 = tpu.memref_squeeze %dma_start3A_711 : memref<1x320x128xf32, #tpu.memory_space<vmem>> -> memref<320x128xf32, #tpu.memory_space<vmem>>
    tpu.enqueue_dma source(%dma_start3A_712 : memref<320x128xf32, #tpu.memory_space<vmem>>) target(%dma_start3A_708 : memref<320x128xf32, #tpu.memory_space<hbm>>) target_semaphore(%dma_start3A_706 : memref<!tpu.dma_semaphore, #tpu.memory_space<semaphore_mem>>)
    %dma_start3A_713 = arith.constant 1 : i32
    %dma_start3A_714 = arith.constant 1 : i32
    %dma_start3A_715 = arith.constant 0 : i32
    %dma_start3A_716 = arith.constant 0 : i32
    %dma_start3A_717 = tpu.memref_slice %arg7[%dma_start3A_713, %dma_start3A_715, %dma_start3A_716] : memref<3x320x128xf32, #tpu.memory_space<vmem>> -> memref<1x320x128xf32, #tpu.memory_space<vmem>>
    %dma_start3A_718 = tpu.memref_squeeze %dma_start3A_717 : memref<1x320x128xf32, #tpu.memory_space<vmem>> -> memref<320x128xf32, #tpu.memory_space<vmem>>
    %dma_start3A_719 = arith.constant 0 : i32
    %dma_start3A_720 = tpu.memref_slice %arg5[%add3A_696, %dma_start3A_719] : memref<100000x128xf32, #tpu.memory_space<hbm>> -> memref<320x128xf32, #tpu.memory_space<hbm>>
    %dma_start3A_721 = tpu.memref_slice %arg10[%dma_start3A_714] : memref<3x!tpu.dma_semaphore, #tpu.memory_space<semaphore_mem>> -> memref<1x!tpu.dma_semaphore, #tpu.memory_space<semaphore_mem>>
    %dma_start3A_722 = tpu.memref_squeeze %dma_start3A_721 : memref<1x!tpu.dma_semaphore, #tpu.memory_space<semaphore_mem>> -> memref<!tpu.dma_semaphore, #tpu.memory_space<semaphore_mem>>
    %dma_start3A_723 = arith.constant 0 : i32
    %dma_start3A_724 = tpu.memref_slice %arg5[%add3A_696, %dma_start3A_723] : memref<100000x128xf32, #tpu.memory_space<hbm>> -> memref<320x128xf32, #tpu.memory_space<hbm>>
    %dma_start3A_725 = arith.constant 0 : i32
    %dma_start3A_726 = arith.constant 0 : i32
    %dma_start3A_727 = tpu.memref_slice %arg7[%dma_start3A_713, %dma_start3A_725, %dma_start3A_726] : memref<3x320x128xf32, #tpu.memory_space<vmem>> -> memref<1x320x128xf32, #tpu.memory_space<vmem>>
    %dma_start3A_728 = tpu.memref_squeeze %dma_start3A_727 : memref<1x320x128xf32, #tpu.memory_space<vmem>> -> memref<320x128xf32, #tpu.memory_space<vmem>>
    tpu.enqueue_dma source(%dma_start3A_728 : memref<320x128xf32, #tpu.memory_space<vmem>>) target(%dma_start3A_724 : memref<320x128xf32, #tpu.memory_space<hbm>>) target_semaphore(%dma_start3A_722 : memref<!tpu.dma_semaphore, #tpu.memory_space<semaphore_mem>>)
    %dma_wait3A_729 = arith.constant 2 : i32
    %dma_wait3A_730 = arith.constant 2 : i32
    %dma_wait3A_731 = arith.constant 0 : i32
    %dma_wait3A_732 = arith.constant 0 : i32
    %dma_wait3A_733 = tpu.memref_slice %arg7[%dma_wait3A_729, %dma_wait3A_731, %dma_wait3A_732] : memref<3x320x128xf32, #tpu.memory_space<vmem>> -> memref<1x320x128xf32, #tpu.memory_space<vmem>>
    %dma_wait3A_734 = tpu.memref_squeeze %dma_wait3A_733 : memref<1x320x128xf32, #tpu.memory_space<vmem>> -> memref<320x128xf32, #tpu.memory_space<vmem>>
    %dma_wait3A_735 = arith.constant 2560 : i32
    %dma_wait3A_736 = tpu.memref_slice %arg6[%dma_wait3A_735] : memref<3200xi32, #tpu.memory_space<vmem>> -> memref<320xi32, #tpu.memory_space<vmem>>
    %dma_wait3A_737 = arith.constant 0 : i32
    %dma_wait3A_738 = arith.constant 0 : i32
    %dma_wait3A_739 = tpu.memref_slice %arg8[%dma_wait3A_737, %dma_wait3A_738] : memref<119x128xf32, #tpu.memory_space<vmem_shared>> -> memref<119x128xf32, #tpu.memory_space<vmem_shared>>
    %dma_wait3A_740 = tpu.memref_slice %arg9[%dma_wait3A_730] : memref<3x!tpu.dma_semaphore, #tpu.memory_space<semaphore_mem>> -> memref<1x!tpu.dma_semaphore, #tpu.memory_space<semaphore_mem>>
    %dma_wait3A_741 = tpu.memref_squeeze %dma_wait3A_740 : memref<1x!tpu.dma_semaphore, #tpu.memory_space<semaphore_mem>> -> memref<!tpu.dma_semaphore, #tpu.memory_space<semaphore_mem>>
    tpu.wait_indirect_dma semaphore(%dma_wait3A_741 : memref<!tpu.dma_semaphore, #tpu.memory_space<semaphore_mem>>) src(%dma_wait3A_739 : memref<119x128xf32, #tpu.memory_space<vmem_shared>>) dst(%dma_wait3A_734 : memref<320x128xf32, #tpu.memory_space<vmem>>)
    %add3A_742 = arith.constant 1920 : i32
    %add3A_743 = arith.addi %multiple_of3A, %add3A_742 : i32
    %add3A_744 = arith.constant 1920 : i32
    %add3A_745 = arith.addi %multiple_of3A, %add3A_744 : i32
    %dma_wait3A_746 = arith.constant 0 : i32
    %dma_wait3A_747 = arith.constant 0 : i32
    %dma_wait3A_748 = arith.constant 0 : i32
    %dma_wait3A_749 = arith.constant 0 : i32
    %dma_wait3A_750 = tpu.memref_slice %arg7[%dma_wait3A_746, %dma_wait3A_748, %dma_wait3A_749] : memref<3x320x128xf32, #tpu.memory_space<vmem>> -> memref<1x320x128xf32, #tpu.memory_space<vmem>>
    %dma_wait3A_751 = tpu.memref_squeeze %dma_wait3A_750 : memref<1x320x128xf32, #tpu.memory_space<vmem>> -> memref<320x128xf32, #tpu.memory_space<vmem>>
    %dma_wait3A_752 = arith.constant 0 : i32
    %dma_wait3A_753 = tpu.memref_slice %arg4[%add3A_743, %dma_wait3A_752] : memref<100000x128xf32, #tpu.memory_space<hbm>> -> memref<320x128xf32, #tpu.memory_space<hbm>>
    %dma_wait3A_754 = tpu.memref_slice %arg10[%dma_wait3A_747] : memref<3x!tpu.dma_semaphore, #tpu.memory_space<semaphore_mem>> -> memref<1x!tpu.dma_semaphore, #tpu.memory_space<semaphore_mem>>
    %dma_wait3A_755 = tpu.memref_squeeze %dma_wait3A_754 : memref<1x!tpu.dma_semaphore, #tpu.memory_space<semaphore_mem>> -> memref<!tpu.dma_semaphore, #tpu.memory_space<semaphore_mem>>
    %dma_wait3A_756 = arith.constant 0 : i32
    %dma_wait3A_757 = tpu.memref_slice %arg4[%add3A_743, %dma_wait3A_756] : memref<100000x128xf32, #tpu.memory_space<hbm>> -> memref<320x128xf32, #tpu.memory_space<hbm>>
    %dma_wait3A_758 = arith.constant 0 : i32
    %dma_wait3A_759 = arith.constant 0 : i32
    %dma_wait3A_760 = tpu.memref_slice %arg7[%dma_wait3A_746, %dma_wait3A_758, %dma_wait3A_759] : memref<3x320x128xf32, #tpu.memory_space<vmem>> -> memref<1x320x128xf32, #tpu.memory_space<vmem>>
    %dma_wait3A_761 = tpu.memref_squeeze %dma_wait3A_760 : memref<1x320x128xf32, #tpu.memory_space<vmem>> -> memref<320x128xf32, #tpu.memory_space<vmem>>
    tpu.wait_dma2 semaphore(%dma_wait3A_755 : memref<!tpu.dma_semaphore, #tpu.memory_space<semaphore_mem>>) src(%dma_wait3A_761 : memref<320x128xf32, #tpu.memory_space<vmem>>) dst(%dma_wait3A_757 : memref<320x128xf32, #tpu.memory_space<hbm>>)
    %dma_wait3A_762 = arith.constant 0 : i32
    %dma_wait3A_763 = arith.constant 0 : i32
    %dma_wait3A_764 = arith.constant 0 : i32
    %dma_wait3A_765 = arith.constant 0 : i32
    %dma_wait3A_766 = tpu.memref_slice %arg7[%dma_wait3A_762, %dma_wait3A_764, %dma_wait3A_765] : memref<3x320x128xf32, #tpu.memory_space<vmem>> -> memref<1x320x128xf32, #tpu.memory_space<vmem>>
    %dma_wait3A_767 = tpu.memref_squeeze %dma_wait3A_766 : memref<1x320x128xf32, #tpu.memory_space<vmem>> -> memref<320x128xf32, #tpu.memory_space<vmem>>
    %dma_wait3A_768 = arith.constant 0 : i32
    %dma_wait3A_769 = tpu.memref_slice %arg5[%add3A_745, %dma_wait3A_768] : memref<100000x128xf32, #tpu.memory_space<hbm>> -> memref<320x128xf32, #tpu.memory_space<hbm>>
    %dma_wait3A_770 = tpu.memref_slice %arg10[%dma_wait3A_763] : memref<3x!tpu.dma_semaphore, #tpu.memory_space<semaphore_mem>> -> memref<1x!tpu.dma_semaphore, #tpu.memory_space<semaphore_mem>>
    %dma_wait3A_771 = tpu.memref_squeeze %dma_wait3A_770 : memref<1x!tpu.dma_semaphore, #tpu.memory_space<semaphore_mem>> -> memref<!tpu.dma_semaphore, #tpu.memory_space<semaphore_mem>>
    %dma_wait3A_772 = arith.constant 0 : i32
    %dma_wait3A_773 = tpu.memref_slice %arg5[%add3A_745, %dma_wait3A_772] : memref<100000x128xf32, #tpu.memory_space<hbm>> -> memref<320x128xf32, #tpu.memory_space<hbm>>
    %dma_wait3A_774 = arith.constant 0 : i32
    %dma_wait3A_775 = arith.constant 0 : i32
    %dma_wait3A_776 = tpu.memref_slice %arg7[%dma_wait3A_762, %dma_wait3A_774, %dma_wait3A_775] : memref<3x320x128xf32, #tpu.memory_space<vmem>> -> memref<1x320x128xf32, #tpu.memory_space<vmem>>
    %dma_wait3A_777 = tpu.memref_squeeze %dma_wait3A_776 : memref<1x320x128xf32, #tpu.memory_space<vmem>> -> memref<320x128xf32, #tpu.memory_space<vmem>>
    tpu.wait_dma2 semaphore(%dma_wait3A_771 : memref<!tpu.dma_semaphore, #tpu.memory_space<semaphore_mem>>) src(%dma_wait3A_777 : memref<320x128xf32, #tpu.memory_space<vmem>>) dst(%dma_wait3A_773 : memref<320x128xf32, #tpu.memory_space<hbm>>)
    %dma_start3A_778 = arith.constant 0 : i32
    %dma_start3A_779 = arith.constant 0 : i32
    %dma_start3A_780 = arith.constant 0 : i32
    %dma_start3A_781 = arith.constant 0 : i32
    %dma_start3A_782 = tpu.memref_slice %arg7[%dma_start3A_778, %dma_start3A_780, %dma_start3A_781] : memref<3x320x128xf32, #tpu.memory_space<vmem>> -> memref<1x320x128xf32, #tpu.memory_space<vmem>>
    %dma_start3A_783 = tpu.memref_squeeze %dma_start3A_782 : memref<1x320x128xf32, #tpu.memory_space<vmem>> -> memref<320x128xf32, #tpu.memory_space<vmem>>
    %dma_start3A_784 = arith.constant 2880 : i32
    %dma_start3A_785 = tpu.memref_slice %arg6[%dma_start3A_784] : memref<3200xi32, #tpu.memory_space<vmem>> -> memref<320xi32, #tpu.memory_space<vmem>>
    %dma_start3A_786 = arith.constant 0 : i32
    %dma_start3A_787 = arith.constant 0 : i32
    %dma_start3A_788 = tpu.memref_slice %arg8[%dma_start3A_786, %dma_start3A_787] : memref<119x128xf32, #tpu.memory_space<vmem_shared>> -> memref<119x128xf32, #tpu.memory_space<vmem_shared>>
    %dma_start3A_789 = tpu.memref_slice %arg9[%dma_start3A_779] : memref<3x!tpu.dma_semaphore, #tpu.memory_space<semaphore_mem>> -> memref<1x!tpu.dma_semaphore, #tpu.memory_space<semaphore_mem>>
    %dma_start3A_790 = tpu.memref_squeeze %dma_start3A_789 : memref<1x!tpu.dma_semaphore, #tpu.memory_space<semaphore_mem>> -> memref<!tpu.dma_semaphore, #tpu.memory_space<semaphore_mem>>
    tpu.enqueue_indirect_dma source(%dma_start3A_788 : memref<119x128xf32, #tpu.memory_space<vmem_shared>>) target(%dma_start3A_783 : memref<320x128xf32, #tpu.memory_space<vmem>>) offsets(%dma_start3A_785 : memref<320xi32, #tpu.memory_space<vmem>>) semaphore(%dma_start3A_790 : memref<!tpu.dma_semaphore, #tpu.memory_space<semaphore_mem>>)
    %add3A_791 = arith.constant 2560 : i32
    %add3A_792 = arith.addi %multiple_of3A, %add3A_791 : i32
    %add3A_793 = arith.constant 2560 : i32
    %add3A_794 = arith.addi %multiple_of3A, %add3A_793 : i32
    %dma_start3A_795 = arith.constant 2 : i32
    %dma_start3A_796 = arith.constant 2 : i32
    %dma_start3A_797 = arith.constant 0 : i32
    %dma_start3A_798 = arith.constant 0 : i32
    %dma_start3A_799 = tpu.memref_slice %arg7[%dma_start3A_795, %dma_start3A_797, %dma_start3A_798] : memref<3x320x128xf32, #tpu.memory_space<vmem>> -> memref<1x320x128xf32, #tpu.memory_space<vmem>>
    %dma_start3A_800 = tpu.memref_squeeze %dma_start3A_799 : memref<1x320x128xf32, #tpu.memory_space<vmem>> -> memref<320x128xf32, #tpu.memory_space<vmem>>
    %dma_start3A_801 = arith.constant 0 : i32
    %dma_start3A_802 = tpu.memref_slice %arg4[%add3A_792, %dma_start3A_801] : memref<100000x128xf32, #tpu.memory_space<hbm>> -> memref<320x128xf32, #tpu.memory_space<hbm>>
    %dma_start3A_803 = tpu.memref_slice %arg10[%dma_start3A_796] : memref<3x!tpu.dma_semaphore, #tpu.memory_space<semaphore_mem>> -> memref<1x!tpu.dma_semaphore, #tpu.memory_space<semaphore_mem>>
    %dma_start3A_804 = tpu.memref_squeeze %dma_start3A_803 : memref<1x!tpu.dma_semaphore, #tpu.memory_space<semaphore_mem>> -> memref<!tpu.dma_semaphore, #tpu.memory_space<semaphore_mem>>
    %dma_start3A_805 = arith.constant 0 : i32
    %dma_start3A_806 = tpu.memref_slice %arg4[%add3A_792, %dma_start3A_805] : memref<100000x128xf32, #tpu.memory_space<hbm>> -> memref<320x128xf32, #tpu.memory_space<hbm>>
    %dma_start3A_807 = arith.constant 0 : i32
    %dma_start3A_808 = arith.constant 0 : i32
    %dma_start3A_809 = tpu.memref_slice %arg7[%dma_start3A_795, %dma_start3A_807, %dma_start3A_808] : memref<3x320x128xf32, #tpu.memory_space<vmem>> -> memref<1x320x128xf32, #tpu.memory_space<vmem>>
    %dma_start3A_810 = tpu.memref_squeeze %dma_start3A_809 : memref<1x320x128xf32, #tpu.memory_space<vmem>> -> memref<320x128xf32, #tpu.memory_space<vmem>>
    tpu.enqueue_dma source(%dma_start3A_810 : memref<320x128xf32, #tpu.memory_space<vmem>>) target(%dma_start3A_806 : memref<320x128xf32, #tpu.memory_space<hbm>>) target_semaphore(%dma_start3A_804 : memref<!tpu.dma_semaphore, #tpu.memory_space<semaphore_mem>>)
    %dma_start3A_811 = arith.constant 2 : i32
    %dma_start3A_812 = arith.constant 2 : i32
    %dma_start3A_813 = arith.constant 0 : i32
    %dma_start3A_814 = arith.constant 0 : i32
    %dma_start3A_815 = tpu.memref_slice %arg7[%dma_start3A_811, %dma_start3A_813, %dma_start3A_814] : memref<3x320x128xf32, #tpu.memory_space<vmem>> -> memref<1x320x128xf32, #tpu.memory_space<vmem>>
    %dma_start3A_816 = tpu.memref_squeeze %dma_start3A_815 : memref<1x320x128xf32, #tpu.memory_space<vmem>> -> memref<320x128xf32, #tpu.memory_space<vmem>>
    %dma_start3A_817 = arith.constant 0 : i32
    %dma_start3A_818 = tpu.memref_slice %arg5[%add3A_794, %dma_start3A_817] : memref<100000x128xf32, #tpu.memory_space<hbm>> -> memref<320x128xf32, #tpu.memory_space<hbm>>
    %dma_start3A_819 = tpu.memref_slice %arg10[%dma_start3A_812] : memref<3x!tpu.dma_semaphore, #tpu.memory_space<semaphore_mem>> -> memref<1x!tpu.dma_semaphore, #tpu.memory_space<semaphore_mem>>
    %dma_start3A_820 = tpu.memref_squeeze %dma_start3A_819 : memref<1x!tpu.dma_semaphore, #tpu.memory_space<semaphore_mem>> -> memref<!tpu.dma_semaphore, #tpu.memory_space<semaphore_mem>>
    %dma_start3A_821 = arith.constant 0 : i32
    %dma_start3A_822 = tpu.memref_slice %arg5[%add3A_794, %dma_start3A_821] : memref<100000x128xf32, #tpu.memory_space<hbm>> -> memref<320x128xf32, #tpu.memory_space<hbm>>
    %dma_start3A_823 = arith.constant 0 : i32
    %dma_start3A_824 = arith.constant 0 : i32
    %dma_start3A_825 = tpu.memref_slice %arg7[%dma_start3A_811, %dma_start3A_823, %dma_start3A_824] : memref<3x320x128xf32, #tpu.memory_space<vmem>> -> memref<1x320x128xf32, #tpu.memory_space<vmem>>
    %dma_start3A_826 = tpu.memref_squeeze %dma_start3A_825 : memref<1x320x128xf32, #tpu.memory_space<vmem>> -> memref<320x128xf32, #tpu.memory_space<vmem>>
    tpu.enqueue_dma source(%dma_start3A_826 : memref<320x128xf32, #tpu.memory_space<vmem>>) target(%dma_start3A_822 : memref<320x128xf32, #tpu.memory_space<hbm>>) target_semaphore(%dma_start3A_820 : memref<!tpu.dma_semaphore, #tpu.memory_space<semaphore_mem>>)
    %dma_wait3A_827 = arith.constant 0 : i32
    %dma_wait3A_828 = arith.constant 0 : i32
    %dma_wait3A_829 = arith.constant 0 : i32
    %dma_wait3A_830 = arith.constant 0 : i32
    %dma_wait3A_831 = tpu.memref_slice %arg7[%dma_wait3A_827, %dma_wait3A_829, %dma_wait3A_830] : memref<3x320x128xf32, #tpu.memory_space<vmem>> -> memref<1x320x128xf32, #tpu.memory_space<vmem>>
    %dma_wait3A_832 = tpu.memref_squeeze %dma_wait3A_831 : memref<1x320x128xf32, #tpu.memory_space<vmem>> -> memref<320x128xf32, #tpu.memory_space<vmem>>
    %dma_wait3A_833 = arith.constant 2880 : i32
    %dma_wait3A_834 = tpu.memref_slice %arg6[%dma_wait3A_833] : memref<3200xi32, #tpu.memory_space<vmem>> -> memref<320xi32, #tpu.memory_space<vmem>>
    %dma_wait3A_835 = arith.constant 0 : i32
    %dma_wait3A_836 = arith.constant 0 : i32
    %dma_wait3A_837 = tpu.memref_slice %arg8[%dma_wait3A_835, %dma_wait3A_836] : memref<119x128xf32, #tpu.memory_space<vmem_shared>> -> memref<119x128xf32, #tpu.memory_space<vmem_shared>>
    %dma_wait3A_838 = tpu.memref_slice %arg9[%dma_wait3A_828] : memref<3x!tpu.dma_semaphore, #tpu.memory_space<semaphore_mem>> -> memref<1x!tpu.dma_semaphore, #tpu.memory_space<semaphore_mem>>
    %dma_wait3A_839 = tpu.memref_squeeze %dma_wait3A_838 : memref<1x!tpu.dma_semaphore, #tpu.memory_space<semaphore_mem>> -> memref<!tpu.dma_semaphore, #tpu.memory_space<semaphore_mem>>
    tpu.wait_indirect_dma semaphore(%dma_wait3A_839 : memref<!tpu.dma_semaphore, #tpu.memory_space<semaphore_mem>>) src(%dma_wait3A_837 : memref<119x128xf32, #tpu.memory_space<vmem_shared>>) dst(%dma_wait3A_832 : memref<320x128xf32, #tpu.memory_space<vmem>>)
    %add3A_840 = arith.constant 2880 : i32
    %add3A_841 = arith.addi %multiple_of3A, %add3A_840 : i32
    %add3A_842 = arith.constant 2880 : i32
    %add3A_843 = arith.addi %multiple_of3A, %add3A_842 : i32
    %dma_start3A_844 = arith.constant 0 : i32
    %dma_start3A_845 = arith.constant 0 : i32
    %dma_start3A_846 = arith.constant 0 : i32
    %dma_start3A_847 = arith.constant 0 : i32
    %dma_start3A_848 = tpu.memref_slice %arg7[%dma_start3A_844, %dma_start3A_846, %dma_start3A_847] : memref<3x320x128xf32, #tpu.memory_space<vmem>> -> memref<1x320x128xf32, #tpu.memory_space<vmem>>
    %dma_start3A_849 = tpu.memref_squeeze %dma_start3A_848 : memref<1x320x128xf32, #tpu.memory_space<vmem>> -> memref<320x128xf32, #tpu.memory_space<vmem>>
    %dma_start3A_850 = arith.constant 0 : i32
    %dma_start3A_851 = tpu.memref_slice %arg4[%add3A_841, %dma_start3A_850] : memref<100000x128xf32, #tpu.memory_space<hbm>> -> memref<320x128xf32, #tpu.memory_space<hbm>>
    %dma_start3A_852 = tpu.memref_slice %arg10[%dma_start3A_845] : memref<3x!tpu.dma_semaphore, #tpu.memory_space<semaphore_mem>> -> memref<1x!tpu.dma_semaphore, #tpu.memory_space<semaphore_mem>>
    %dma_start3A_853 = tpu.memref_squeeze %dma_start3A_852 : memref<1x!tpu.dma_semaphore, #tpu.memory_space<semaphore_mem>> -> memref<!tpu.dma_semaphore, #tpu.memory_space<semaphore_mem>>
    %dma_start3A_854 = arith.constant 0 : i32
    %dma_start3A_855 = tpu.memref_slice %arg4[%add3A_841, %dma_start3A_854] : memref<100000x128xf32, #tpu.memory_space<hbm>> -> memref<320x128xf32, #tpu.memory_space<hbm>>
    %dma_start3A_856 = arith.constant 0 : i32
    %dma_start3A_857 = arith.constant 0 : i32
    %dma_start3A_858 = tpu.memref_slice %arg7[%dma_start3A_844, %dma_start3A_856, %dma_start3A_857] : memref<3x320x128xf32, #tpu.memory_space<vmem>> -> memref<1x320x128xf32, #tpu.memory_space<vmem>>
    %dma_start3A_859 = tpu.memref_squeeze %dma_start3A_858 : memref<1x320x128xf32, #tpu.memory_space<vmem>> -> memref<320x128xf32, #tpu.memory_space<vmem>>
    tpu.enqueue_dma source(%dma_start3A_859 : memref<320x128xf32, #tpu.memory_space<vmem>>) target(%dma_start3A_855 : memref<320x128xf32, #tpu.memory_space<hbm>>) target_semaphore(%dma_start3A_853 : memref<!tpu.dma_semaphore, #tpu.memory_space<semaphore_mem>>)
    %dma_start3A_860 = arith.constant 0 : i32
    %dma_start3A_861 = arith.constant 0 : i32
    %dma_start3A_862 = arith.constant 0 : i32
    %dma_start3A_863 = arith.constant 0 : i32
    %dma_start3A_864 = tpu.memref_slice %arg7[%dma_start3A_860, %dma_start3A_862, %dma_start3A_863] : memref<3x320x128xf32, #tpu.memory_space<vmem>> -> memref<1x320x128xf32, #tpu.memory_space<vmem>>
    %dma_start3A_865 = tpu.memref_squeeze %dma_start3A_864 : memref<1x320x128xf32, #tpu.memory_space<vmem>> -> memref<320x128xf32, #tpu.memory_space<vmem>>
    %dma_start3A_866 = arith.constant 0 : i32
    %dma_start3A_867 = tpu.memref_slice %arg5[%add3A_843, %dma_start3A_866] : memref<100000x128xf32, #tpu.memory_space<hbm>> -> memref<320x128xf32, #tpu.memory_space<hbm>>
    %dma_start3A_868 = tpu.memref_slice %arg10[%dma_start3A_861] : memref<3x!tpu.dma_semaphore, #tpu.memory_space<semaphore_mem>> -> memref<1x!tpu.dma_semaphore, #tpu.memory_space<semaphore_mem>>
    %dma_start3A_869 = tpu.memref_squeeze %dma_start3A_868 : memref<1x!tpu.dma_semaphore, #tpu.memory_space<semaphore_mem>> -> memref<!tpu.dma_semaphore, #tpu.memory_space<semaphore_mem>>
    %dma_start3A_870 = arith.constant 0 : i32
    %dma_start3A_871 = tpu.memref_slice %arg5[%add3A_843, %dma_start3A_870] : memref<100000x128xf32, #tpu.memory_space<hbm>> -> memref<320x128xf32, #tpu.memory_space<hbm>>
    %dma_start3A_872 = arith.constant 0 : i32
    %dma_start3A_873 = arith.constant 0 : i32
    %dma_start3A_874 = tpu.memref_slice %arg7[%dma_start3A_860, %dma_start3A_872, %dma_start3A_873] : memref<3x320x128xf32, #tpu.memory_space<vmem>> -> memref<1x320x128xf32, #tpu.memory_space<vmem>>
    %dma_start3A_875 = tpu.memref_squeeze %dma_start3A_874 : memref<1x320x128xf32, #tpu.memory_space<vmem>> -> memref<320x128xf32, #tpu.memory_space<vmem>>
    tpu.enqueue_dma source(%dma_start3A_875 : memref<320x128xf32, #tpu.memory_space<vmem>>) target(%dma_start3A_871 : memref<320x128xf32, #tpu.memory_space<hbm>>) target_semaphore(%dma_start3A_869 : memref<!tpu.dma_semaphore, #tpu.memory_space<semaphore_mem>>)
    %add3A_876 = arith.constant 2240 : i32
    %add3A_877 = arith.addi %multiple_of3A, %add3A_876 : i32
    %add3A_878 = arith.constant 2240 : i32
    %add3A_879 = arith.addi %multiple_of3A, %add3A_878 : i32
    %dma_wait3A_880 = arith.constant 1 : i32
    %dma_wait3A_881 = arith.constant 1 : i32
    %dma_wait3A_882 = arith.constant 0 : i32
    %dma_wait3A_883 = arith.constant 0 : i32
    %dma_wait3A_884 = tpu.memref_slice %arg7[%dma_wait3A_880, %dma_wait3A_882, %dma_wait3A_883] : memref<3x320x128xf32, #tpu.memory_space<vmem>> -> memref<1x320x128xf32, #tpu.memory_space<vmem>>
    %dma_wait3A_885 = tpu.memref_squeeze %dma_wait3A_884 : memref<1x320x128xf32, #tpu.memory_space<vmem>> -> memref<320x128xf32, #tpu.memory_space<vmem>>
    %dma_wait3A_886 = arith.constant 0 : i32
    %dma_wait3A_887 = tpu.memref_slice %arg4[%add3A_877, %dma_wait3A_886] : memref<100000x128xf32, #tpu.memory_space<hbm>> -> memref<320x128xf32, #tpu.memory_space<hbm>>
    %dma_wait3A_888 = tpu.memref_slice %arg10[%dma_wait3A_881] : memref<3x!tpu.dma_semaphore, #tpu.memory_space<semaphore_mem>> -> memref<1x!tpu.dma_semaphore, #tpu.memory_space<semaphore_mem>>
    %dma_wait3A_889 = tpu.memref_squeeze %dma_wait3A_888 : memref<1x!tpu.dma_semaphore, #tpu.memory_space<semaphore_mem>> -> memref<!tpu.dma_semaphore, #tpu.memory_space<semaphore_mem>>
    %dma_wait3A_890 = arith.constant 0 : i32
    %dma_wait3A_891 = tpu.memref_slice %arg4[%add3A_877, %dma_wait3A_890] : memref<100000x128xf32, #tpu.memory_space<hbm>> -> memref<320x128xf32, #tpu.memory_space<hbm>>
    %dma_wait3A_892 = arith.constant 0 : i32
    %dma_wait3A_893 = arith.constant 0 : i32
    %dma_wait3A_894 = tpu.memref_slice %arg7[%dma_wait3A_880, %dma_wait3A_892, %dma_wait3A_893] : memref<3x320x128xf32, #tpu.memory_space<vmem>> -> memref<1x320x128xf32, #tpu.memory_space<vmem>>
    %dma_wait3A_895 = tpu.memref_squeeze %dma_wait3A_894 : memref<1x320x128xf32, #tpu.memory_space<vmem>> -> memref<320x128xf32, #tpu.memory_space<vmem>>
    tpu.wait_dma2 semaphore(%dma_wait3A_889 : memref<!tpu.dma_semaphore, #tpu.memory_space<semaphore_mem>>) src(%dma_wait3A_895 : memref<320x128xf32, #tpu.memory_space<vmem>>) dst(%dma_wait3A_891 : memref<320x128xf32, #tpu.memory_space<hbm>>)
    %dma_wait3A_896 = arith.constant 1 : i32
    %dma_wait3A_897 = arith.constant 1 : i32
    %dma_wait3A_898 = arith.constant 0 : i32
    %dma_wait3A_899 = arith.constant 0 : i32
    %dma_wait3A_900 = tpu.memref_slice %arg7[%dma_wait3A_896, %dma_wait3A_898, %dma_wait3A_899] : memref<3x320x128xf32, #tpu.memory_space<vmem>> -> memref<1x320x128xf32, #tpu.memory_space<vmem>>
    %dma_wait3A_901 = tpu.memref_squeeze %dma_wait3A_900 : memref<1x320x128xf32, #tpu.memory_space<vmem>> -> memref<320x128xf32, #tpu.memory_space<vmem>>
    %dma_wait3A_902 = arith.constant 0 : i32
    %dma_wait3A_903 = tpu.memref_slice %arg5[%add3A_879, %dma_wait3A_902] : memref<100000x128xf32, #tpu.memory_space<hbm>> -> memref<320x128xf32, #tpu.memory_space<hbm>>
    %dma_wait3A_904 = tpu.memref_slice %arg10[%dma_wait3A_897] : memref<3x!tpu.dma_semaphore, #tpu.memory_space<semaphore_mem>> -> memref<1x!tpu.dma_semaphore, #tpu.memory_space<semaphore_mem>>
    %dma_wait3A_905 = tpu.memref_squeeze %dma_wait3A_904 : memref<1x!tpu.dma_semaphore, #tpu.memory_space<semaphore_mem>> -> memref<!tpu.dma_semaphore, #tpu.memory_space<semaphore_mem>>
    %dma_wait3A_906 = arith.constant 0 : i32
    %dma_wait3A_907 = tpu.memref_slice %arg5[%add3A_879, %dma_wait3A_906] : memref<100000x128xf32, #tpu.memory_space<hbm>> -> memref<320x128xf32, #tpu.memory_space<hbm>>
    %dma_wait3A_908 = arith.constant 0 : i32
    %dma_wait3A_909 = arith.constant 0 : i32
    %dma_wait3A_910 = tpu.memref_slice %arg7[%dma_wait3A_896, %dma_wait3A_908, %dma_wait3A_909] : memref<3x320x128xf32, #tpu.memory_space<vmem>> -> memref<1x320x128xf32, #tpu.memory_space<vmem>>
    %dma_wait3A_911 = tpu.memref_squeeze %dma_wait3A_910 : memref<1x320x128xf32, #tpu.memory_space<vmem>> -> memref<320x128xf32, #tpu.memory_space<vmem>>
    tpu.wait_dma2 semaphore(%dma_wait3A_905 : memref<!tpu.dma_semaphore, #tpu.memory_space<semaphore_mem>>) src(%dma_wait3A_911 : memref<320x128xf32, #tpu.memory_space<vmem>>) dst(%dma_wait3A_907 : memref<320x128xf32, #tpu.memory_space<hbm>>)
    %add3A_912 = arith.constant 2560 : i32
    %add3A_913 = arith.addi %multiple_of3A, %add3A_912 : i32
    %add3A_914 = arith.constant 2560 : i32
    %add3A_915 = arith.addi %multiple_of3A, %add3A_914 : i32
    %dma_wait3A_916 = arith.constant 2 : i32
    %dma_wait3A_917 = arith.constant 2 : i32
    %dma_wait3A_918 = arith.constant 0 : i32
    %dma_wait3A_919 = arith.constant 0 : i32
    %dma_wait3A_920 = tpu.memref_slice %arg7[%dma_wait3A_916, %dma_wait3A_918, %dma_wait3A_919] : memref<3x320x128xf32, #tpu.memory_space<vmem>> -> memref<1x320x128xf32, #tpu.memory_space<vmem>>
    %dma_wait3A_921 = tpu.memref_squeeze %dma_wait3A_920 : memref<1x320x128xf32, #tpu.memory_space<vmem>> -> memref<320x128xf32, #tpu.memory_space<vmem>>
    %dma_wait3A_922 = arith.constant 0 : i32
    %dma_wait3A_923 = tpu.memref_slice %arg4[%add3A_913, %dma_wait3A_922] : memref<100000x128xf32, #tpu.memory_space<hbm>> -> memref<320x128xf32, #tpu.memory_space<hbm>>
    %dma_wait3A_924 = tpu.memref_slice %arg10[%dma_wait3A_917] : memref<3x!tpu.dma_semaphore, #tpu.memory_space<semaphore_mem>> -> memref<1x!tpu.dma_semaphore, #tpu.memory_space<semaphore_mem>>
    %dma_wait3A_925 = tpu.memref_squeeze %dma_wait3A_924 : memref<1x!tpu.dma_semaphore, #tpu.memory_space<semaphore_mem>> -> memref<!tpu.dma_semaphore, #tpu.memory_space<semaphore_mem>>
    %dma_wait3A_926 = arith.constant 0 : i32
    %dma_wait3A_927 = tpu.memref_slice %arg4[%add3A_913, %dma_wait3A_926] : memref<100000x128xf32, #tpu.memory_space<hbm>> -> memref<320x128xf32, #tpu.memory_space<hbm>>
    %dma_wait3A_928 = arith.constant 0 : i32
    %dma_wait3A_929 = arith.constant 0 : i32
    %dma_wait3A_930 = tpu.memref_slice %arg7[%dma_wait3A_916, %dma_wait3A_928, %dma_wait3A_929] : memref<3x320x128xf32, #tpu.memory_space<vmem>> -> memref<1x320x128xf32, #tpu.memory_space<vmem>>
    %dma_wait3A_931 = tpu.memref_squeeze %dma_wait3A_930 : memref<1x320x128xf32, #tpu.memory_space<vmem>> -> memref<320x128xf32, #tpu.memory_space<vmem>>
    tpu.wait_dma2 semaphore(%dma_wait3A_925 : memref<!tpu.dma_semaphore, #tpu.memory_space<semaphore_mem>>) src(%dma_wait3A_931 : memref<320x128xf32, #tpu.memory_space<vmem>>) dst(%dma_wait3A_927 : memref<320x128xf32, #tpu.memory_space<hbm>>)
    %dma_wait3A_932 = arith.constant 2 : i32
    %dma_wait3A_933 = arith.constant 2 : i32
    %dma_wait3A_934 = arith.constant 0 : i32
    %dma_wait3A_935 = arith.constant 0 : i32
    %dma_wait3A_936 = tpu.memref_slice %arg7[%dma_wait3A_932, %dma_wait3A_934, %dma_wait3A_935] : memref<3x320x128xf32, #tpu.memory_space<vmem>> -> memref<1x320x128xf32, #tpu.memory_space<vmem>>
    %dma_wait3A_937 = tpu.memref_squeeze %dma_wait3A_936 : memref<1x320x128xf32, #tpu.memory_space<vmem>> -> memref<320x128xf32, #tpu.memory_space<vmem>>
    %dma_wait3A_938 = arith.constant 0 : i32
    %dma_wait3A_939 = tpu.memref_slice %arg5[%add3A_915, %dma_wait3A_938] : memref<100000x128xf32, #tpu.memory_space<hbm>> -> memref<320x128xf32, #tpu.memory_space<hbm>>
    %dma_wait3A_940 = tpu.memref_slice %arg10[%dma_wait3A_933] : memref<3x!tpu.dma_semaphore, #tpu.memory_space<semaphore_mem>> -> memref<1x!tpu.dma_semaphore, #tpu.memory_space<semaphore_mem>>
    %dma_wait3A_941 = tpu.memref_squeeze %dma_wait3A_940 : memref<1x!tpu.dma_semaphore, #tpu.memory_space<semaphore_mem>> -> memref<!tpu.dma_semaphore, #tpu.memory_space<semaphore_mem>>
    %dma_wait3A_942 = arith.constant 0 : i32
    %dma_wait3A_943 = tpu.memref_slice %arg5[%add3A_915, %dma_wait3A_942] : memref<100000x128xf32, #tpu.memory_space<hbm>> -> memref<320x128xf32, #tpu.memory_space<hbm>>
    %dma_wait3A_944 = arith.constant 0 : i32
    %dma_wait3A_945 = arith.constant 0 : i32
    %dma_wait3A_946 = tpu.memref_slice %arg7[%dma_wait3A_932, %dma_wait3A_944, %dma_wait3A_945] : memref<3x320x128xf32, #tpu.memory_space<vmem>> -> memref<1x320x128xf32, #tpu.memory_space<vmem>>
    %dma_wait3A_947 = tpu.memref_squeeze %dma_wait3A_946 : memref<1x320x128xf32, #tpu.memory_space<vmem>> -> memref<320x128xf32, #tpu.memory_space<vmem>>
    tpu.wait_dma2 semaphore(%dma_wait3A_941 : memref<!tpu.dma_semaphore, #tpu.memory_space<semaphore_mem>>) src(%dma_wait3A_947 : memref<320x128xf32, #tpu.memory_space<vmem>>) dst(%dma_wait3A_943 : memref<320x128xf32, #tpu.memory_space<hbm>>)
    %add3A_948 = arith.constant 2880 : i32
    %add3A_949 = arith.addi %multiple_of3A, %add3A_948 : i32
    %add3A_950 = arith.constant 2880 : i32
    %add3A_951 = arith.addi %multiple_of3A, %add3A_950 : i32
    %dma_wait3A_952 = arith.constant 0 : i32
    %dma_wait3A_953 = arith.constant 0 : i32
    %dma_wait3A_954 = arith.constant 0 : i32
    %dma_wait3A_955 = arith.constant 0 : i32
    %dma_wait3A_956 = tpu.memref_slice %arg7[%dma_wait3A_952, %dma_wait3A_954, %dma_wait3A_955] : memref<3x320x128xf32, #tpu.memory_space<vmem>> -> memref<1x320x128xf32, #tpu.memory_space<vmem>>
    %dma_wait3A_957 = tpu.memref_squeeze %dma_wait3A_956 : memref<1x320x128xf32, #tpu.memory_space<vmem>> -> memref<320x128xf32, #tpu.memory_space<vmem>>
    %dma_wait3A_958 = arith.constant 0 : i32
    %dma_wait3A_959 = tpu.memref_slice %arg4[%add3A_949, %dma_wait3A_958] : memref<100000x128xf32, #tpu.memory_space<hbm>> -> memref<320x128xf32, #tpu.memory_space<hbm>>
    %dma_wait3A_960 = tpu.memref_slice %arg10[%dma_wait3A_953] : memref<3x!tpu.dma_semaphore, #tpu.memory_space<semaphore_mem>> -> memref<1x!tpu.dma_semaphore, #tpu.memory_space<semaphore_mem>>
    %dma_wait3A_961 = tpu.memref_squeeze %dma_wait3A_960 : memref<1x!tpu.dma_semaphore, #tpu.memory_space<semaphore_mem>> -> memref<!tpu.dma_semaphore, #tpu.memory_space<semaphore_mem>>
    %dma_wait3A_962 = arith.constant 0 : i32
    %dma_wait3A_963 = tpu.memref_slice %arg4[%add3A_949, %dma_wait3A_962] : memref<100000x128xf32, #tpu.memory_space<hbm>> -> memref<320x128xf32, #tpu.memory_space<hbm>>
    %dma_wait3A_964 = arith.constant 0 : i32
    %dma_wait3A_965 = arith.constant 0 : i32
    %dma_wait3A_966 = tpu.memref_slice %arg7[%dma_wait3A_952, %dma_wait3A_964, %dma_wait3A_965] : memref<3x320x128xf32, #tpu.memory_space<vmem>> -> memref<1x320x128xf32, #tpu.memory_space<vmem>>
    %dma_wait3A_967 = tpu.memref_squeeze %dma_wait3A_966 : memref<1x320x128xf32, #tpu.memory_space<vmem>> -> memref<320x128xf32, #tpu.memory_space<vmem>>
    tpu.wait_dma2 semaphore(%dma_wait3A_961 : memref<!tpu.dma_semaphore, #tpu.memory_space<semaphore_mem>>) src(%dma_wait3A_967 : memref<320x128xf32, #tpu.memory_space<vmem>>) dst(%dma_wait3A_963 : memref<320x128xf32, #tpu.memory_space<hbm>>)
    %dma_wait3A_968 = arith.constant 0 : i32
    %dma_wait3A_969 = arith.constant 0 : i32
    %dma_wait3A_970 = arith.constant 0 : i32
    %dma_wait3A_971 = arith.constant 0 : i32
    %dma_wait3A_972 = tpu.memref_slice %arg7[%dma_wait3A_968, %dma_wait3A_970, %dma_wait3A_971] : memref<3x320x128xf32, #tpu.memory_space<vmem>> -> memref<1x320x128xf32, #tpu.memory_space<vmem>>
    %dma_wait3A_973 = tpu.memref_squeeze %dma_wait3A_972 : memref<1x320x128xf32, #tpu.memory_space<vmem>> -> memref<320x128xf32, #tpu.memory_space<vmem>>
    %dma_wait3A_974 = arith.constant 0 : i32
    %dma_wait3A_975 = tpu.memref_slice %arg5[%add3A_951, %dma_wait3A_974] : memref<100000x128xf32, #tpu.memory_space<hbm>> -> memref<320x128xf32, #tpu.memory_space<hbm>>
    %dma_wait3A_976 = tpu.memref_slice %arg10[%dma_wait3A_969] : memref<3x!tpu.dma_semaphore, #tpu.memory_space<semaphore_mem>> -> memref<1x!tpu.dma_semaphore, #tpu.memory_space<semaphore_mem>>
    %dma_wait3A_977 = tpu.memref_squeeze %dma_wait3A_976 : memref<1x!tpu.dma_semaphore, #tpu.memory_space<semaphore_mem>> -> memref<!tpu.dma_semaphore, #tpu.memory_space<semaphore_mem>>
    %dma_wait3A_978 = arith.constant 0 : i32
    %dma_wait3A_979 = tpu.memref_slice %arg5[%add3A_951, %dma_wait3A_978] : memref<100000x128xf32, #tpu.memory_space<hbm>> -> memref<320x128xf32, #tpu.memory_space<hbm>>
    %dma_wait3A_980 = arith.constant 0 : i32
    %dma_wait3A_981 = arith.constant 0 : i32
    %dma_wait3A_982 = tpu.memref_slice %arg7[%dma_wait3A_968, %dma_wait3A_980, %dma_wait3A_981] : memref<3x320x128xf32, #tpu.memory_space<vmem>> -> memref<1x320x128xf32, #tpu.memory_space<vmem>>
    %dma_wait3A_983 = tpu.memref_squeeze %dma_wait3A_982 : memref<1x320x128xf32, #tpu.memory_space<vmem>> -> memref<320x128xf32, #tpu.memory_space<vmem>>
    tpu.wait_dma2 semaphore(%dma_wait3A_977 : memref<!tpu.dma_semaphore, #tpu.memory_space<semaphore_mem>>) src(%dma_wait3A_983 : memref<320x128xf32, #tpu.memory_space<vmem>>) dst(%dma_wait3A_979 : memref<320x128xf32, #tpu.memory_space<hbm>>)
    return
  }
}

</mosaic_0001>

<sc_bundles>
// kernel: _emb_lookup.3.cloned.1.call-start
scs
__scs_entry_jumppad:
0x0: {  	(pc) =	sbr.rel $0x88, $3  }
0x1: {  	(tag) =	ssettag $0x0;
	lr =	simm.s32 $0x1  }
0x2: {  	[smem:$0x3F9F] =	sst lr;
	_ =	strace $0xD0000000  }
0x3: {  	_ = 	snop  }
0x4: {  	_ = 	snop  }
0x5: {  	_ = 	snop  }
0x6: {  	_ = 	snop  }
0x7: {  	_ = 	snop  }
__scs_overlays_trampoline_lowered:
0x8: {  	[smem:$0x3FAE] =	sst s0  }
0x9: {  	[smem:$0x3FAF] =	sst s1  }
0xa: {  	[smem:$0x3FB0] =	sst s2  }
0xb: {  	[smem:$0x3FB1] =	sst s3  }
0xc: {  	[smem:$0x3FB2] =	sst s4  }
0xd: {  	[smem:$0x3FB3] =	sst s5  }
0xe: {  	[smem:$0x3FB4] =	sst s6  }
0xf: {  	[smem:$0x3FB5] =	sst s7  }
0x10: {  	[smem:$0x3FB6] =	sst s8  }
0x11: {  	[smem:$0x3FB7] =	sst s9;
	s0 =	simm.s32 @!p0 $0x0  }
0x12: {  	s1 =	sld [smem:$0x3F9D];
	s0 =	simm.s32 @p0 $0x1  }
0x13: {  	[smem:$0x3FB8] =	sst s0;
	s0 =	simm.s32 @!p1 $0x0  }
0x14: {  	s2 =	sld [smem:$0x3F9C];
	s0 =	simm.s32 @p1 $0x1  }
0x15: {  	[smem:$0x3FB9] =	sst s0;
	s0 =	simm.s32 @!p2 $0x0  }
0x16: {  	s3 =	sld [smem:$0x3FDB];
	s0 =	simm.s32 @p2 $0x1  }
0x17: {  	s4 =	simm.s32 $0x1BF5;
	[smem:$0x3FBB] =	sst s0  }
0x18: {  	s0 =	sld [smem:$0x3F9E];
	_ =	swait.ge [sflag:s4], $0x0  }
0x19: {  	s7 =	sld [smem:$0x3F9F]  }
0x1a: {  	s8 =	sadd.s32 $0xFFFFE003, lr  }
0x1b: {  	s9 =	sadd.s32 $0xFFFFFEF7, lr;
	s5 =	simm.s32 $0xFFFFFFFF;
	p2 =	slt.u32 s8, $0xFFFFF086  }
0x1c: {  	p1 =	slt.u32 s9, $0xF7A;
	s5 =	simm.s32 @!p2 $0x0  }
0x1d: {  	s5 =	simm.s32 @p1 $0x1;
	p0 =	seq.s32 s7, s2  }
0x1e: {  	s7 =	smul.u32 @!p0 $0xF7A, s2;
	p2 =	seq.s32 @!p0 s5, $0x0  }
0x1f: {  	s9 =	smul.u32 $0xF7A, s1;
	s8 =	simm.s32 @!p0 $0x1BF5;
	p2 =	por !p2, p0  }
0x20: {  	[sflag:s8] =	ssyncset.s32 @!p0 $0xFFFFF086;
	s6 =	sadd.s32 @!p0 s3, s7;
	s7 =	simm.s32 @!p0 $0x108  }
0x21: {  	s3 =	sadd.s32 s3, s9;
	s6 =	sadd.s32 @!p0 $0x88, s6;
	s7 =	simm.s32 @p2 $0x1082  }
0x22: {  	[simem:s7], [sflag:s8] =	dma.local @!p0 [hbm:s6], $0xF7A  }
0x23: {  	s9 =	sor.u32 $0xD0000000, s2;
	s6 =	simm.s32 $0x108;
	_ =	swait.ge @!p0 [sflag:s8], $0x0  }
0x24: {  	s3 =	sadd.s32 $0x88, s3;
	s6 =	simm.s32 @!p1 $0x1082;
	[sflag:s4] =	ssyncset.s32 $0xFFFFF086  }
0x25: {  	[simem:s6], [sflag:s4] =	dma.local [hbm:s3], $0xF7A  }
0x26: {  	[smem:$0x3F9F] =	sst s1;
	(tag) =	ssettag s2;
	_ =	strace s9  }
0x27: {  	s1 =	sld [smem:$0x3FAF]  }
0x28: {  	s2 =	sld [smem:$0x3FB0]  }
0x29: {  	s4 =	sld [smem:$0x3FB2]  }
0x2a: {  	p0 =	seq.s32 s5, $0x0;
	s5 =	sld [smem:$0x3FB3]  }
0x2b: {  	s6 =	sld [smem:$0x3FB4]  }
0x2c: {  	s7 =	sld [smem:$0x3FB5]  }
0x2d: {  	s3 =	simm.s32 $0x108;
	s8 =	sld [smem:$0x3FB6]  }
0x2e: {  	s3 =	simm.s32 @!p0 $0x1082;
	s9 =	sld [smem:$0x3FB7]  }
0x2f: {  	lr =	sadd.s32 s0, s3;
	s0 =	sld [smem:$0x3FAE]  }
0x30: {  	s3 =	sld [smem:$0x3FB1]  }
0x31: {  	[smem:$0x3FBA] =	sst s10  }
0x32: {  	s10 =	sld [smem:$0x3FB8];
	_ =	sdelay $0x3  }
0x33: {  	p0 =	seq.s32 s10, $0x1;
	s10 =	sld [smem:$0x3FBA];
	_ =	sdelay $0x3  }
0x34: {  	[smem:$0x3FBA] =	sst s10  }
0x35: {  	s10 =	sld [smem:$0x3FB9];
	_ =	sdelay $0x3  }
0x36: {  	p1 =	seq.s32 s10, $0x1;
	s10 =	sld [smem:$0x3FBA];
	_ =	sdelay $0x3  }
0x37: {  	[smem:$0x3FBA] =	sst s10  }
0x38: {  	s10 =	sld [smem:$0x3FBB]  }
0x39: {  	_ = 	snop;
	(pc) =	sbr.ind lr, $3  }
0x3a: {  	_ = 	snop  }
0x3b: {  	_ = 	snop  }
0x3c: {  	p2 =	seq.s32 s10, $0x1;
	s10 =	sld [smem:$0x3FBA]  }
0x3d: {  	_ =	shalt  }
0x3e: {  	_ =	shalt  }
0x3f: {  	_ =	shalt  }
0x40: {  	_ =	shalt  }
0x41: {  	_ =	shalt  }
0x42: {  	_ =	shalt  }
0x43: {  	_ =	shalt  }
0x44: {  	_ =	shalt  }
0x45: {  	_ =	shalt  }
0x46: {  	_ =	shalt  }
0x47: {  	_ =	shalt  }
0x48: {  	_ =	shalt  }
0x49: {  	_ =	shalt  }
0x4a: {  	_ =	shalt  }
0x4b: {  	_ =	shalt  }
0x4c: {  	_ =	shalt  }
0x4d: {  	_ =	shalt  }
0x4e: {  	_ =	shalt  }
0x4f: {  	_ =	shalt  }
0x50: {  	_ =	shalt  }
0x51: {  	_ =	shalt  }
0x52: {  	_ =	shalt  }
0x53: {  	_ =	shalt  }
0x54: {  	_ =	shalt  }
0x55: {  	_ =	shalt  }
0x56: {  	_ =	shalt  }
0x57: {  	_ =	shalt  }
0x58: {  	_ =	shalt  }
0x59: {  	_ =	shalt  }
0x5a: {  	_ =	shalt  }
0x5b: {  	_ =	shalt  }
0x5c: {  	_ =	shalt  }
0x5d: {  	_ =	shalt  }
0x5e: {  	_ =	shalt  }
0x5f: {  	_ =	shalt  }
0x60: {  	_ =	shalt  }
0x61: {  	_ =	shalt  }
0x62: {  	_ =	shalt  }
0x63: {  	_ =	shalt  }
0x64: {  	_ =	shalt  }
0x65: {  	_ =	shalt  }
0x66: {  	_ =	shalt  }
0x67: {  	_ =	shalt  }
0x68: {  	_ =	shalt  }
0x69: {  	_ =	shalt  }
0x6a: {  	_ =	shalt  }
0x6b: {  	_ =	shalt  }
0x6c: {  	_ =	shalt  }
0x6d: {  	_ =	shalt  }
0x6e: {  	_ =	shalt  }
0x6f: {  	_ =	shalt  }
0x70: {  	_ =	shalt  }
0x71: {  	_ =	shalt  }
0x72: {  	_ =	shalt  }
0x73: {  	_ =	shalt  }
0x74: {  	_ =	shalt  }
0x75: {  	_ =	shalt  }
0x76: {  	_ =	shalt  }
0x77: {  	_ =	shalt  }
0x78: {  	_ =	shalt  }
0x79: {  	_ =	shalt  }
0x7a: {  	_ =	shalt  }
0x7b: {  	_ =	shalt  }
0x7c: {  	_ =	shalt  }
0x7d: {  	_ =	shalt  }
0x7e: {  	_ =	shalt  }
0x7f: {  	_ =	shalt  }
0x80: {  	_ =	shalt  }
0x81: {  	_ =	shalt  }
0x82: {  	_ =	shalt  }
0x83: {  	_ =	shalt  }
0x84: {  	_ =	shalt  }
0x85: {  	_ =	shalt  }
0x86: {  	_ =	shalt  }
0x87: {  	_ =	shalt  }
.Lfunc_end0:
.L_simem_size_0:
called_computation_lowered:
.L_overlay_start_0:
0x88: {  	s2 =	sld [smem:$0x3FD9]  }
0x89: {  	s3 =	sld [smem:$0x3FFE];
	_ =	sdelay $0x1  }
0x8a: {  	s1 =	srdreg.scid  }
0x8b: {  	s0 =	sand.u32 $0x1, s1  }
0x8c: {  	s15 =	sshll.u32 s0, $0xA;
	s2 =	sadd.s32 s3, s2  }
0x8d: {  	s2 =	sadd.s32 s2, s15  }
0x8e: {  	[smem:$0x3FC6] =	sst s2  }
0x8f: {  	_ = 	snop  }
0x90: {  	s2 =	sld [smem:$0x3FD0];
	_ =	sdelay $0x1  }
0x91: {  	s16 =	sld [smem:$0x3FC9]  }
0x92: {  	s5 =	simm.s32 $0xA;
	s6 =	simm.s32 $0x10;
	s4 =	sld [smem:$0x3FC8]  }
0x93: {  	[smem:s6], [sflag:s5] =	dma.local [hbm:s2], $0x1  }
0x94: {  	_ =	swait.eq [sflag:s5], $0x1  }
0x95: {  	[sflag:s5] =	ssyncset.done $0x0  }
0x96: {  	s17 =	sld [smem:$0x10];
	[sflag:s5] =	ssyncadd.s32 $0xFFFFFFFF  }
0x97: {  	s18 =	sld [smem:$0x11];
	(tm) =	ssettm $0x1  }
0x98: {  	s19 =	sld [smem:$0x3FFB];
	_ =	sdelay $0x3  }
0x99: {  	_ =	strace s19  }
0x9a: {  	s6 =	sld [smem:$0x3FFC];
	_ =	sdelay $0x3  }
0x9b: {  	_ =	strace s6  }
0x9c: {  	s6 =	sld [smem:$0x3FFD];
	_ =	sdelay $0x3  }
0x9d: {  	_ =	strace s6  }
0x9e: {  	_ =	strace $0x8FFFFFFF  }
0x9f: {  	s20 =	sld [smem:$0x3FDB];
	_ =	sdelay $0x1  }
0xa0: {  	s7 =	simm.s32 $_scs_section_size  }
0xa1: {  	s8 =	simm.s32 $_size__tile_overlayer_lowered;
	s9 =	simm.s32 $_tile_overlayer_lowered  }
0xa2: {  	s23 =	simm.s32 $0x1BFF;
	s22 =	sshll.u32 s9, $0x1;
	s6 =	sadd.s32 s7, s20  }
0xa3: {  	s10 =	simm.s32 $0x0;
	s21 =	sshll.u32 s8, $0x1;
	s8 =	sadd.s32 s22, s6  }
0xa4: {  	[timem:s10], [sflag:s23] =	dma.local [hbm:s8], s21  }
0xa5: {  	_ =	swait.ge [sflag:s23], s21  }
0xa6: {  	s7 =	ssub.s32 $0x0, s21;
	[sflag:s23] =	ssyncset.done $0x0  }
0xa7: {  	[sflag:s23] =	ssyncadd.s32 s7;
	_ =	sdelay $0x1  }
0xa8: {  	s24 =	simm.s32 $0x1B8B  }
0xa9: {  	_ =	swait.ge [sflag:s24], $0x1  }
0xaa: {  	[sflag:s24] =	ssyncset.done $0x0  }
0xab: {  	s25 =	simm.s32 $0x1B8E;
	[sflag:s24] =	ssyncadd.s32 $0xFFFFFFFF  }
0xac: {  	s26 =	simm.s32 $execute0_lowered;
	[smem:$0x3FD2] =	sst s25  }
0xad: {  	s7 =	sshll.u32 s26, $0x1;
	_ =	strace $0x80000046;
	[dreg:$0x1] =	wrdreg $0xFFFFFFFF  }
0xae: {  	s28 =	simm.s32 $_size_execute0_lowered;
	s6 =	sadd.s32 s6, s7;
	[dreg:$0x0] =	wrdreg $0x0  }
0xaf: {  	s7 =	sshll.u32 s28, $0x1;
	[dreg:$0x2] =	wrdreg s6  }
0xb0: {  	[dreg:$0x3] =	wrdreg s7  }
0xb1: {  	[dreg:$0x4] =	wrdreg $0xC0  }
0xb2: {  	_ =	task [dreg:s10], $0x5FFFF  }
0xb3: {  	[dreg:$0x1] =	wrdreg $0xFFFFFFFF  }
0xb4: {  	[dreg:$0x0] =	wrdreg $0x60  }
0xb5: {  	[dreg:$0x2] =	wrdreg s16  }
0xb6: {  	[dreg:$0x3] =	wrdreg s4  }
0xb7: {  	[dreg:$0x4] =	wrdreg s17  }
0xb8: {  	[dreg:$0x5] =	wrdreg s18  }
0xb9: {  	[dreg:$0x6] =	wrdreg $0x1EC800  }
0xba: {  	[dreg:$0x7] =	wrdreg $0x9  }
0xbb: {  	_ =	task.clear_ibuf [dreg:s10], $0x8FFFF;
	_ =	strace $0x90000046  }
0xbc: {  	s29 =	simm.s32 $0x9;
	_ =	strace $0x80000048  }
0xbd: {  	_ =	swait.ge [sflag:s29], $0x1  }
0xbe: {  	[sflag:s29] =	ssyncadd.s32 $0xFFFFFFFF  }
0xbf: {  	_ =	strace $0x90000048  }
0xc0: {  	_ =	sfence  }
0xc1: {  	s30 =	sld [smem:$0x0];
	_ =	sdelay $0x2  }
0xc2: {  	s31 =	sshll.u32 s1, $0xD;
	s1 =	sshrl.u32 s1, $0x2  }
0xc3: {  	s3 =	sand.u32 $0x4000, s31;
	s1 =	sadd.s32 s1, s30  }
0xc4: {  	s0 =	sor.u32 s3, s0;
	s1 =	sshll.u32 s1, $0x11  }
0xc5: {  	s0 =	sor.u32 s1, s0  }
0xc6: {  	s0 =	sadd.s32 $0x8F2B, s0  }
0xc7: {  	[sflag:s0] =	ssyncadd.remote.s32 $0x1  }
0xc8: {  	_ =	sfence.sel $0xFFFF  }
0xc9: {  	[dreg:$0x0] =	wrdreg $0xFFFFFFFF;
	(pc) =	sbr.abs _section_cstart, $3  }
0xca: {  	[dreg:$0x1] =	wrdreg $0xFFFFFFFF  }
0xcb: {  	_ =	task.clear_ibuf [dreg:s10], $0x2FFFF;
	_ =	strace $0x9FFFFFFF  }
0xcc: {  	(tm) =	ssettm $0x7FFFFFFF  }
0xcd: {  	_ =	shalt  }
tec
execute0_lowered:
.L_overlay_start_1:
0x0: {  	(tag) =	ssettag $0x1  }
0x1: {  	s0 =	rddreg [dreg:$0x0]  }
0x2: {  	s1 =	rddreg [dreg:$0x1]  }
0x3: {  	s2 =	srdreg.scid;
	s3 =	stileid.u32  }
0x4: {  	s5 =	rddreg [dreg:$0x2];
	s4 =	sand.u32 $0x1, s2;
	s24 =	sshll.u32 s3, $0x1  }
0x5: {  	[dreg:$0x6] =	wrdreg s1;
	s1 =	sor.u32 s4, s24  }
0x6: {  	s8 =	rddreg [dreg:$0x3];
	s6 =	smul.u32 $0xC80, s1  }
0x7: {  	s29 =	rddreg [dreg:$0x5];
	p1 =	por $0x0, $0x0  }
0x8: {  	s2 =	rddreg [dreg:$0x4];
	p0 =	sne.s32 s3, $0x0;
	s6 =	smin.u32 s6, $0x17A20  }
0x9: {  	s3 =	simm.s32 $0x4;
	s1 =	simm.s32 $0x0;
	s7 =	sshrl.u32 s6, $0x3  }
0xa: {  	[smem:$0x7FF] =	sst s1;
	s6 =	sshll.u32 s6, $0x4;
	s0 =	sadd.s32 s0, s7  }
0xb: {  	_ =	strace $0x80000047;
	s25 =	sadd.s32 s5, s6;
	[dreg:$0x7] =	wrdreg s0  }
0xc: {  	s4 =	ssub.s32 $0x2, s4;
	s26 =	sadd.s32 s8, s6;
	[dreg:$0x8] =	wrdreg s25  }
0xd: {  	s28 =	sshrl.u32 @!p0 s2, $0x3;
	s30 =	sadd.s32 $0x1400, s6;
	[dreg:$0x9] =	wrdreg s26  }
0xe: {  	s10 =	sadd.s32 $0x2800, s6;
	s31 =	sadd.s32 s5, s30;
	s0 =	rddreg [dreg:$0x6]  }
0xf: {  	s13 =	sadd.s32 $0x3C00, s6;
	s9 =	sadd.s32 s8, s30;
	[dreg:$0xa] =	wrdreg s31  }
0x10: {  	s16 =	sadd.s32 $0x5000, s6;
	s11 =	sadd.s32 s5, s10;
	[dreg:$0xb] =	wrdreg s9  }
0x11: {  	s19 =	sadd.s32 $0x6400, s6;
	s12 =	sadd.s32 s8, s10;
	[dreg:$0xc] =	wrdreg s11  }
0x12: {  	s22 =	sadd.s32 $0x7800, s6;
	s14 =	sadd.s32 s5, s13;
	[dreg:$0xd] =	wrdreg s12  }
0x13: {  	s15 =	sadd.s32 s8, s13;
	s17 =	sadd.s32 s5, s16;
	[dreg:$0xe] =	wrdreg s14  }
0x14: {  	s18 =	sadd.s32 s8, s16;
	s20 =	sadd.s32 s5, s19;
	[dreg:$0xf] =	wrdreg s15  }
0x15: {  	s21 =	sadd.s32 s8, s19;
	s23 =	sadd.s32 s5, s22;
	[dreg:$0x10] =	wrdreg s17  }
0x16: {  	s24 =	sadd.s32 s8, s22;
	s25 =	sadd.s32 $0x8C00, s6;
	[dreg:$0x11] =	wrdreg s18  }
0x17: {  	s30 =	sadd.s32 $0xA000, s6;
	s10 =	sadd.s32 $0xB400, s6;
	[dreg:$0x12] =	wrdreg s20  }
0x18: {  	s13 =	simm.s32 $0x140;
	s16 =	simm.s32 $0x3;
	[dreg:$0x13] =	wrdreg s21  }
0x19: {  	s22 =	simm.s32 $0x640;
	[dreg:$0x14] =	wrdreg s23;
	s9 =	sshrl.u32 s4, $0x1  }
0x1a: {  	s19 =	simm.s32 $0xA00;
	[dreg:$0x15] =	wrdreg s24;
	s9 =	ssub.s32 s4, s9  }
0x1b: {  	s26 =	sadd.s32 s5, s25;
	s12 =	sadd.s32 s8, s25;
	s31 =	smax.u32 s9, $0x1  }
0x1c: {  	s6 =	sadd.s32 s5, s30;
	s7 =	sadd.s32 s8, s30;
	s17 =	sadd.s32 $0xFFFFFFFF, s31  }
0x1d: {  	s15 =	simm.s32 $0xAC80;
	s18 =	simm.s32 $0x2;
	p2 =	sne.s32 s17, $0x0  }
.Ltmp0:
0x1e: {  	s25 =	simm.s32 $0x280;
	s14 =	simm.s32 $0x14C80;
	(pc) =	sbr.rel @!p2 .LBB2_1-.Ltmp0, $4  }
0x1f: {  	s24 =	simm.s32 $0x3C0;
	s11 =	simm.s32 $0x5;
	s23 =	simm.s32 $0x500  }
0x20: {  	s21 =	simm.s32 $0x780;
	s20 =	simm.s32 $0x8C0;
	[dreg:$0x16] =	wrdreg s26  }
0x21: {  	s4 =	sadd.s32 s5, s10;
	s5 =	sadd.s32 s8, s10;
	s26 =	simm.s32 $0x7  }
0x22: {  	s10 =	simm.s32 $0x1;
	s8 =	simm.s32 $0x6;
	s9 =	simm.s32 $0xC80  }
0x23: {  	s29 =	simm.s32 @!p0 $0x1C07;
	s30 =	simm.s32 @!p0 $0x7  }
0x24: {  	[spmem:s28], [sflag:s29] =	dma.local @!p0 [hbm:s0], $0x770  }
0x25: {  	_ =	swait.ge @!p0 [sflag:s30], $0x770  }
0x26: {  	[sflag:s30] =	ssyncset.done @!p0 $0x0  }
0x27: {  	s0 =	rddreg [dreg:$0x7];
	[sflag:s30] =	ssyncadd.s32 @!p0 $0xFFFFF890  }
0x28: {  	[tilespmem:s1], [sflag:$0x7] =	stream.linear.gather [hbm4b:s0+s1], $0xC80, $0x38;
	[tilespmem:$0x1F038] =	vst v63  }
0x29: {  	_ =	swait.ge [sflag:s26], $0xC80  }
0x2a: {  	[sflag:s26] =	ssyncset.done $0x0  }
0x2b: {  	[sflag:s26] =	ssyncadd.s32 $0xFFFFF380  }
0x2c: {  	[bflag:$0x0] =	sbarrier.arrive $0xFFFF  }
0x2d: {  	[tilespmem:s9], [sflag:$0x1] =	stream.indirect.gather [spmem:s2], $0x80, s1, s13, $0xb8;
	[tilespmem:$0x1F038] =	vst v63  }
0x2e: {  	_ =	swait.ge [sflag:s10], $0xA000  }
0x2f: {  	[sflag:s10] =	ssyncset.done $0x0  }
0x30: {  	[sflag:s10] =	ssyncadd.s32 $0xFFFF6000  }
0x31: {  	[tilespmem:s15], [sflag:$0x2] =	stream.indirect.gather [spmem:s2], $0x80, s13, s13, $0xb8;
	[tilespmem:$0x1F038] =	vst v63  }
0x32: {  	s0 =	rddreg [dreg:$0x8]  }
0x33: {  	[hbm4b:s0+s1] =	stream.linear.scatter [tilespmem:s9], [sflag:$0x4], $0xA000, $0x38;
	[tilespmem:$0x1F038] =	vst v63  }
0x34: {  	s31 =	rddreg [dreg:$0x9]  }
0x35: {  	[hbm4b:s31+s1] =	stream.linear.scatter [tilespmem:s9], [sflag:$0x4], $0xA000, $0x38;
	[tilespmem:$0x1F038] =	vst v63  }
0x36: {  	_ =	swait.ge [sflag:s18], $0xA000  }
0x37: {  	[sflag:s18] =	ssyncset.done $0x0  }
0x38: {  	[sflag:s18] =	ssyncadd.s32 $0xFFFF6000  }
0x39: {  	[tilespmem:s14], [sflag:$0x3] =	stream.indirect.gather [spmem:s2], $0x80, s25, s13, $0xb8;
	[tilespmem:$0x1F038] =	vst v63  }
0x3a: {  	s0 =	rddreg [dreg:$0xa]  }
0x3b: {  	[hbm4b:s0+s1] =	stream.linear.scatter [tilespmem:s15], [sflag:$0x5], $0xA000, $0x38;
	[tilespmem:$0x1F038] =	vst v63  }
0x3c: {  	s31 =	rddreg [dreg:$0xb]  }
0x3d: {  	[hbm4b:s31+s1] =	stream.linear.scatter [tilespmem:s15], [sflag:$0x5], $0xA000, $0x38;
	[tilespmem:$0x1F038] =	vst v63  }
0x3e: {  	_ =	swait.ge [sflag:s16], $0xA000  }
0x3f: {  	[sflag:s16] =	ssyncset.done $0x0  }
0x40: {  	[sflag:s16] =	ssyncadd.s32 $0xFFFF6000  }
0x41: {  	_ =	swait.ge [sflag:s3], $0xA000  }
0x42: {  	[sflag:s3] =	ssyncset.done $0x0  }
0x43: {  	[sflag:s3] =	ssyncadd.s32 $0xFFFF6000  }
0x44: {  	_ =	swait.ge [sflag:s3], $0xA000  }
0x45: {  	[sflag:s3] =	ssyncset.done $0x0  }
0x46: {  	[sflag:s3] =	ssyncadd.s32 $0xFFFF6000  }
0x47: {  	[tilespmem:s9], [sflag:$0x1] =	stream.indirect.gather [spmem:s2], $0x80, s24, s13, $0xb8;
	[tilespmem:$0x1F038] =	vst v63  }
0x48: {  	s0 =	rddreg [dreg:$0xc]  }
0x49: {  	[hbm4b:s0+s1] =	stream.linear.scatter [tilespmem:s14], [sflag:$0x6], $0xA000, $0x38;
	[tilespmem:$0x1F038] =	vst v63  }
0x4a: {  	s31 =	rddreg [dreg:$0xd]  }
0x4b: {  	[hbm4b:s31+s1] =	stream.linear.scatter [tilespmem:s14], [sflag:$0x6], $0xA000, $0x38;
	[tilespmem:$0x1F038] =	vst v63  }
0x4c: {  	_ =	swait.ge [sflag:s10], $0xA000  }
0x4d: {  	[sflag:s10] =	ssyncset.done $0x0  }
0x4e: {  	[sflag:s10] =	ssyncadd.s32 $0xFFFF6000  }
0x4f: {  	_ =	swait.ge [sflag:s11], $0xA000  }
0x50: {  	[sflag:s11] =	ssyncset.done $0x0  }
0x51: {  	[sflag:s11] =	ssyncadd.s32 $0xFFFF6000  }
0x52: {  	_ =	swait.ge [sflag:s11], $0xA000  }
0x53: {  	[sflag:s11] =	ssyncset.done $0x0  }
0x54: {  	[sflag:s11] =	ssyncadd.s32 $0xFFFF6000  }
0x55: {  	[tilespmem:s15], [sflag:$0x2] =	stream.indirect.gather [spmem:s2], $0x80, s23, s13, $0xb8;
	[tilespmem:$0x1F038] =	vst v63  }
0x56: {  	s0 =	rddreg [dreg:$0xe]  }
0x57: {  	[hbm4b:s0+s1] =	stream.linear.scatter [tilespmem:s9], [sflag:$0x4], $0xA000, $0x38;
	[tilespmem:$0x1F038] =	vst v63  }
0x58: {  	s31 =	rddreg [dreg:$0xf]  }
0x59: {  	[hbm4b:s31+s1] =	stream.linear.scatter [tilespmem:s9], [sflag:$0x4], $0xA000, $0x38;
	[tilespmem:$0x1F038] =	vst v63  }
0x5a: {  	_ =	swait.ge [sflag:s18], $0xA000  }
0x5b: {  	[sflag:s18] =	ssyncset.done $0x0  }
0x5c: {  	[sflag:s18] =	ssyncadd.s32 $0xFFFF6000  }
0x5d: {  	_ =	swait.ge [sflag:s8], $0xA000  }
0x5e: {  	[sflag:s8] =	ssyncset.done $0x0  }
0x5f: {  	[sflag:s8] =	ssyncadd.s32 $0xFFFF6000  }
0x60: {  	_ =	swait.ge [sflag:s8], $0xA000  }
0x61: {  	[sflag:s8] =	ssyncset.done $0x0  }
0x62: {  	[sflag:s8] =	ssyncadd.s32 $0xFFFF6000  }
0x63: {  	[tilespmem:s14], [sflag:$0x3] =	stream.indirect.gather [spmem:s2], $0x80, s22, s13, $0xb8;
	[tilespmem:$0x1F038] =	vst v63  }
0x64: {  	s0 =	rddreg [dreg:$0x10]  }
0x65: {  	[hbm4b:s0+s1] =	stream.linear.scatter [tilespmem:s15], [sflag:$0x5], $0xA000, $0x38;
	[tilespmem:$0x1F038] =	vst v63  }
0x66: {  	s31 =	rddreg [dreg:$0x11]  }
0x67: {  	[hbm4b:s31+s1] =	stream.linear.scatter [tilespmem:s15], [sflag:$0x5], $0xA000, $0x38;
	[tilespmem:$0x1F038] =	vst v63  }
0x68: {  	_ =	swait.ge [sflag:s16], $0xA000  }
0x69: {  	[sflag:s16] =	ssyncset.done $0x0  }
0x6a: {  	[sflag:s16] =	ssyncadd.s32 $0xFFFF6000  }
0x6b: {  	_ =	swait.ge [sflag:s3], $0xA000  }
0x6c: {  	[sflag:s3] =	ssyncset.done $0x0  }
0x6d: {  	[sflag:s3] =	ssyncadd.s32 $0xFFFF6000  }
0x6e: {  	_ =	swait.ge [sflag:s3], $0xA000  }
0x6f: {  	[sflag:s3] =	ssyncset.done $0x0  }
0x70: {  	[sflag:s3] =	ssyncadd.s32 $0xFFFF6000  }
0x71: {  	[tilespmem:s9], [sflag:$0x1] =	stream.indirect.gather [spmem:s2], $0x80, s21, s13, $0xb8;
	[tilespmem:$0x1F038] =	vst v63  }
0x72: {  	s0 =	rddreg [dreg:$0x12]  }
0x73: {  	[hbm4b:s0+s1] =	stream.linear.scatter [tilespmem:s14], [sflag:$0x6], $0xA000, $0x38;
	[tilespmem:$0x1F038] =	vst v63  }
0x74: {  	s31 =	rddreg [dreg:$0x13]  }
0x75: {  	[hbm4b:s31+s1] =	stream.linear.scatter [tilespmem:s14], [sflag:$0x6], $0xA000, $0x38;
	[tilespmem:$0x1F038] =	vst v63  }
0x76: {  	_ =	swait.ge [sflag:s10], $0xA000  }
0x77: {  	[sflag:s10] =	ssyncset.done $0x0  }
0x78: {  	[sflag:s10] =	ssyncadd.s32 $0xFFFF6000  }
0x79: {  	_ =	swait.ge [sflag:s11], $0xA000  }
0x7a: {  	[sflag:s11] =	ssyncset.done $0x0  }
0x7b: {  	[sflag:s11] =	ssyncadd.s32 $0xFFFF6000  }
0x7c: {  	_ =	swait.ge [sflag:s11], $0xA000  }
0x7d: {  	[sflag:s11] =	ssyncset.done $0x0  }
0x7e: {  	[sflag:s11] =	ssyncadd.s32 $0xFFFF6000  }
0x7f: {  	[tilespmem:s15], [sflag:$0x2] =	stream.indirect.gather [spmem:s2], $0x80, s20, s13, $0xb8;
	[tilespmem:$0x1F038] =	vst v63  }
0x80: {  	s0 =	rddreg [dreg:$0x14]  }
0x81: {  	[hbm4b:s0+s1] =	stream.linear.scatter [tilespmem:s9], [sflag:$0x4], $0xA000, $0x38;
	[tilespmem:$0x1F038] =	vst v63  }
0x82: {  	s31 =	rddreg [dreg:$0x15]  }
0x83: {  	[hbm4b:s31+s1] =	stream.linear.scatter [tilespmem:s9], [sflag:$0x4], $0xA000, $0x38;
	[tilespmem:$0x1F038] =	vst v63  }
0x84: {  	_ =	swait.ge [sflag:s18], $0xA000  }
0x85: {  	[sflag:s18] =	ssyncset.done $0x0  }
0x86: {  	[sflag:s18] =	ssyncadd.s32 $0xFFFF6000  }
0x87: {  	_ =	swait.ge [sflag:s8], $0xA000  }
0x88: {  	[sflag:s8] =	ssyncset.done $0x0  }
0x89: {  	[sflag:s8] =	ssyncadd.s32 $0xFFFF6000  }
0x8a: {  	_ =	swait.ge [sflag:s8], $0xA000  }
0x8b: {  	[sflag:s8] =	ssyncset.done $0x0  }
0x8c: {  	[sflag:s8] =	ssyncadd.s32 $0xFFFF6000  }
0x8d: {  	[tilespmem:s14], [sflag:$0x3] =	stream.indirect.gather [spmem:s2], $0x80, s19, s13, $0xb8;
	[tilespmem:$0x1F038] =	vst v63  }
0x8e: {  	s0 =	rddreg [dreg:$0x16]  }
0x8f: {  	[hbm4b:s0+s1] =	stream.linear.scatter [tilespmem:s15], [sflag:$0x5], $0xA000, $0x38;
	[tilespmem:$0x1F038] =	vst v63  }
0x90: {  	_ = 	snop  }
0x91: {  	[hbm4b:s12+s1] =	stream.linear.scatter [tilespmem:s15], [sflag:$0x5], $0xA000, $0x38;
	[tilespmem:$0x1F038] =	vst v63  }
0x92: {  	_ =	swait.ge [sflag:s16], $0xA000  }
0x93: {  	[sflag:s16] =	ssyncset.done $0x0  }
0x94: {  	[sflag:s16] =	ssyncadd.s32 $0xFFFF6000  }
0x95: {  	_ =	swait.ge [sflag:s3], $0xA000  }
0x96: {  	[sflag:s3] =	ssyncset.done $0x0  }
0x97: {  	[sflag:s3] =	ssyncadd.s32 $0xFFFF6000  }
0x98: {  	_ =	swait.ge [sflag:s3], $0xA000  }
0x99: {  	[sflag:s3] =	ssyncset.done $0x0  }
0x9a: {  	s0 =	simm.s32 $0xB40;
	[sflag:s3] =	ssyncadd.s32 $0xFFFF6000  }
0x9b: {  	[tilespmem:s9], [sflag:$0x1] =	stream.indirect.gather [spmem:s2], $0x80, s0, s13, $0xb8;
	[tilespmem:$0x1F038] =	vst v63  }
0x9c: {  	_ = 	snop  }
0x9d: {  	[hbm4b:s6+s1] =	stream.linear.scatter [tilespmem:s14], [sflag:$0x6], $0xA000, $0x38;
	[tilespmem:$0x1F038] =	vst v63  }
0x9e: {  	_ = 	snop  }
0x9f: {  	[hbm4b:s7+s1] =	stream.linear.scatter [tilespmem:s14], [sflag:$0x6], $0xA000, $0x38;
	[tilespmem:$0x1F038] =	vst v63  }
0xa0: {  	_ =	swait.ge [sflag:s10], $0xA000  }
0xa1: {  	[sflag:s10] =	ssyncset.done $0x0  }
0xa2: {  	[sflag:s10] =	ssyncadd.s32 $0xFFFF6000  }
0xa3: {  	[hbm4b:s4+s1] =	stream.linear.scatter [tilespmem:s9], [sflag:$0x4], $0xA000, $0x38;
	[tilespmem:$0x1F038] =	vst v63  }
0xa4: {  	_ = 	snop  }
0xa5: {  	[hbm4b:s5+s1] =	stream.linear.scatter [tilespmem:s9], [sflag:$0x4], $0xA000, $0x38;
	[tilespmem:$0x1F038] =	vst v63  }
0xa6: {  	_ =	swait.ge [sflag:s11], $0xA000  }
0xa7: {  	[sflag:s11] =	ssyncset.done $0x0  }
0xa8: {  	[sflag:s11] =	ssyncadd.s32 $0xFFFF6000  }
0xa9: {  	_ =	swait.ge [sflag:s11], $0xA000  }
0xaa: {  	[sflag:s11] =	ssyncset.done $0x0  }
0xab: {  	[sflag:s11] =	ssyncadd.s32 $0xFFFF6000  }
0xac: {  	_ =	swait.ge [sflag:s8], $0xA000  }
0xad: {  	[sflag:s8] =	ssyncset.done $0x0  }
0xae: {  	[sflag:s8] =	ssyncadd.s32 $0xFFFF6000  }
0xaf: {  	_ =	swait.ge [sflag:s8], $0xA000  }
0xb0: {  	s31 =	sadd.s32 $0xFFFFFFFF, s17;
	[sflag:s8] =	ssyncset.done $0x0  }
0xb1: {  	p2 =	sne.s32 s31, $0x0;
	[sflag:s8] =	ssyncadd.s32 $0xFFFF6000  }
.Ltmp1:
0xb2: {  	_ =	swait.ge [sflag:s3], $0xA000;
	(pc) =	sbr.rel @!p2 .LBB2_3-.Ltmp1, $4  }
0xb3: {  	[sflag:s3] =	ssyncset.done $0x0  }
0xb4: {  	[sflag:s3] =	ssyncadd.s32 $0xFFFF6000  }
0xb5: {  	_ =	swait.ge [sflag:s3], $0xA000  }
0xb6: {  	p1 =	por $0x1, $0x1;
	s0 =	rddreg [dreg:$0x6];
	[sflag:s3] =	ssyncset.done $0x0  }
.LBB2_4:
0xb7: {  	[sflag:s3] =	ssyncadd.s32 $0xFFFF6000  }
0xb8: {  	[spmem:s28], [sflag:s29] =	dma.local @!p0 [hbm:s0], $0x770  }
0xb9: {  	_ =	swait.ge @!p0 [sflag:s30], $0x770  }
0xba: {  	[sflag:s30] =	ssyncset.done @!p0 $0x0  }
0xbb: {  	s17 =	rddreg [dreg:$0x7];
	[sflag:s30] =	ssyncadd.s32 @!p0 $0xFFFFF890  }
0xbc: {  	[tilespmem:s1], [sflag:$0x7] =	stream.linear.gather [hbm4b:s17+s1], $0xC80, $0x38;
	[tilespmem:$0x1F038] =	vst v63  }
0xbd: {  	_ =	swait.ge [sflag:s26], $0xC80  }
0xbe: {  	[sflag:s26] =	ssyncset.done $0x0  }
0xbf: {  	[sflag:s26] =	ssyncadd.s32 $0xFFFFF380  }
0xc0: {  	[bflag:$0x0] =	sbarrier.arrive $0xFFFF  }
0xc1: {  	[tilespmem:s9], [sflag:$0x1] =	stream.indirect.gather [spmem:s2], $0x80, s1, s13, $0xb8;
	[tilespmem:$0x1F038] =	vst v63  }
0xc2: {  	_ =	swait.ge [sflag:s10], $0xA000  }
0xc3: {  	[sflag:s10] =	ssyncset.done $0x0  }
0xc4: {  	[sflag:s10] =	ssyncadd.s32 $0xFFFF6000  }
0xc5: {  	[tilespmem:s15], [sflag:$0x2] =	stream.indirect.gather [spmem:s2], $0x80, s13, s13, $0xb8;
	[tilespmem:$0x1F038] =	vst v63  }
0xc6: {  	s0 =	rddreg [dreg:$0x8]  }
0xc7: {  	[hbm4b:s0+s1] =	stream.linear.scatter [tilespmem:s9], [sflag:$0x4], $0xA000, $0x38;
	[tilespmem:$0x1F038] =	vst v63  }
0xc8: {  	s17 =	rddreg [dreg:$0x9]  }
0xc9: {  	[hbm4b:s17+s1] =	stream.linear.scatter [tilespmem:s9], [sflag:$0x4], $0xA000, $0x38;
	[tilespmem:$0x1F038] =	vst v63  }
0xca: {  	_ =	swait.ge [sflag:s18], $0xA000  }
0xcb: {  	[sflag:s18] =	ssyncset.done $0x0  }
0xcc: {  	[sflag:s18] =	ssyncadd.s32 $0xFFFF6000  }
0xcd: {  	[tilespmem:s14], [sflag:$0x3] =	stream.indirect.gather [spmem:s2], $0x80, s25, s13, $0xb8;
	[tilespmem:$0x1F038] =	vst v63  }
0xce: {  	s0 =	rddreg [dreg:$0xa]  }
0xcf: {  	[hbm4b:s0+s1] =	stream.linear.scatter [tilespmem:s15], [sflag:$0x5], $0xA000, $0x38;
	[tilespmem:$0x1F038] =	vst v63  }
0xd0: {  	s17 =	rddreg [dreg:$0xb]  }
0xd1: {  	[hbm4b:s17+s1] =	stream.linear.scatter [tilespmem:s15], [sflag:$0x5], $0xA000, $0x38;
	[tilespmem:$0x1F038] =	vst v63  }
0xd2: {  	_ =	swait.ge [sflag:s16], $0xA000  }
0xd3: {  	[sflag:s16] =	ssyncset.done $0x0  }
0xd4: {  	[sflag:s16] =	ssyncadd.s32 $0xFFFF6000  }
0xd5: {  	_ =	swait.ge [sflag:s3], $0xA000  }
0xd6: {  	[sflag:s3] =	ssyncset.done $0x0  }
0xd7: {  	[sflag:s3] =	ssyncadd.s32 $0xFFFF6000  }
0xd8: {  	_ =	swait.ge [sflag:s3], $0xA000  }
0xd9: {  	[sflag:s3] =	ssyncset.done $0x0  }
0xda: {  	[sflag:s3] =	ssyncadd.s32 $0xFFFF6000  }
0xdb: {  	[tilespmem:s9], [sflag:$0x1] =	stream.indirect.gather [spmem:s2], $0x80, s24, s13, $0xb8;
	[tilespmem:$0x1F038] =	vst v63  }
0xdc: {  	s0 =	rddreg [dreg:$0xc]  }
0xdd: {  	[hbm4b:s0+s1] =	stream.linear.scatter [tilespmem:s14], [sflag:$0x6], $0xA000, $0x38;
	[tilespmem:$0x1F038] =	vst v63  }
0xde: {  	s17 =	rddreg [dreg:$0xd]  }
0xdf: {  	[hbm4b:s17+s1] =	stream.linear.scatter [tilespmem:s14], [sflag:$0x6], $0xA000, $0x38;
	[tilespmem:$0x1F038] =	vst v63  }
0xe0: {  	_ =	swait.ge [sflag:s10], $0xA000  }
0xe1: {  	[sflag:s10] =	ssyncset.done $0x0  }
0xe2: {  	[sflag:s10] =	ssyncadd.s32 $0xFFFF6000  }
0xe3: {  	_ =	swait.ge [sflag:s11], $0xA000  }
0xe4: {  	[sflag:s11] =	ssyncset.done $0x0  }
0xe5: {  	[sflag:s11] =	ssyncadd.s32 $0xFFFF6000  }
0xe6: {  	_ =	swait.ge [sflag:s11], $0xA000  }
0xe7: {  	[sflag:s11] =	ssyncset.done $0x0  }
0xe8: {  	[sflag:s11] =	ssyncadd.s32 $0xFFFF6000  }
0xe9: {  	[tilespmem:s15], [sflag:$0x2] =	stream.indirect.gather [spmem:s2], $0x80, s23, s13, $0xb8;
	[tilespmem:$0x1F038] =	vst v63  }
0xea: {  	s0 =	rddreg [dreg:$0xe]  }
0xeb: {  	[hbm4b:s0+s1] =	stream.linear.scatter [tilespmem:s9], [sflag:$0x4], $0xA000, $0x38;
	[tilespmem:$0x1F038] =	vst v63  }
0xec: {  	s17 =	rddreg [dreg:$0xf]  }
0xed: {  	[hbm4b:s17+s1] =	stream.linear.scatter [tilespmem:s9], [sflag:$0x4], $0xA000, $0x38;
	[tilespmem:$0x1F038] =	vst v63  }
0xee: {  	_ =	swait.ge [sflag:s18], $0xA000  }
0xef: {  	[sflag:s18] =	ssyncset.done $0x0  }
0xf0: {  	[sflag:s18] =	ssyncadd.s32 $0xFFFF6000  }
0xf1: {  	_ =	swait.ge [sflag:s8], $0xA000  }
0xf2: {  	[sflag:s8] =	ssyncset.done $0x0  }
0xf3: {  	[sflag:s8] =	ssyncadd.s32 $0xFFFF6000  }
0xf4: {  	_ =	swait.ge [sflag:s8], $0xA000  }
0xf5: {  	[sflag:s8] =	ssyncset.done $0x0  }
0xf6: {  	[sflag:s8] =	ssyncadd.s32 $0xFFFF6000  }
0xf7: {  	[tilespmem:s14], [sflag:$0x3] =	stream.indirect.gather [spmem:s2], $0x80, s22, s13, $0xb8;
	[tilespmem:$0x1F038] =	vst v63  }
0xf8: {  	s0 =	rddreg [dreg:$0x10]  }
0xf9: {  	[hbm4b:s0+s1] =	stream.linear.scatter [tilespmem:s15], [sflag:$0x5], $0xA000, $0x38;
	[tilespmem:$0x1F038] =	vst v63  }
0xfa: {  	s17 =	rddreg [dreg:$0x11]  }
0xfb: {  	[hbm4b:s17+s1] =	stream.linear.scatter [tilespmem:s15], [sflag:$0x5], $0xA000, $0x38;
	[tilespmem:$0x1F038] =	vst v63  }
0xfc: {  	_ =	swait.ge [sflag:s16], $0xA000  }
0xfd: {  	[sflag:s16] =	ssyncset.done $0x0  }
0xfe: {  	[sflag:s16] =	ssyncadd.s32 $0xFFFF6000  }
0xff: {  	_ =	swait.ge [sflag:s3], $0xA000  }
0x100: {  	[sflag:s3] =	ssyncset.done $0x0  }
0x101: {  	[sflag:s3] =	ssyncadd.s32 $0xFFFF6000  }
0x102: {  	_ =	swait.ge [sflag:s3], $0xA000  }
0x103: {  	[sflag:s3] =	ssyncset.done $0x0  }
0x104: {  	[sflag:s3] =	ssyncadd.s32 $0xFFFF6000  }
0x105: {  	[tilespmem:s9], [sflag:$0x1] =	stream.indirect.gather [spmem:s2], $0x80, s21, s13, $0xb8;
	[tilespmem:$0x1F038] =	vst v63  }
0x106: {  	s0 =	rddreg [dreg:$0x12]  }
0x107: {  	[hbm4b:s0+s1] =	stream.linear.scatter [tilespmem:s14], [sflag:$0x6], $0xA000, $0x38;
	[tilespmem:$0x1F038] =	vst v63  }
0x108: {  	s17 =	rddreg [dreg:$0x13]  }
0x109: {  	[hbm4b:s17+s1] =	stream.linear.scatter [tilespmem:s14], [sflag:$0x6], $0xA000, $0x38;
	[tilespmem:$0x1F038] =	vst v63  }
0x10a: {  	_ =	swait.ge [sflag:s10], $0xA000  }
0x10b: {  	[sflag:s10] =	ssyncset.done $0x0  }
0x10c: {  	[sflag:s10] =	ssyncadd.s32 $0xFFFF6000  }
0x10d: {  	_ =	swait.ge [sflag:s11], $0xA000  }
0x10e: {  	[sflag:s11] =	ssyncset.done $0x0  }
0x10f: {  	[sflag:s11] =	ssyncadd.s32 $0xFFFF6000  }
0x110: {  	_ =	swait.ge [sflag:s11], $0xA000  }
0x111: {  	[sflag:s11] =	ssyncset.done $0x0  }
0x112: {  	[sflag:s11] =	ssyncadd.s32 $0xFFFF6000  }
0x113: {  	[tilespmem:s15], [sflag:$0x2] =	stream.indirect.gather [spmem:s2], $0x80, s20, s13, $0xb8;
	[tilespmem:$0x1F038] =	vst v63  }
0x114: {  	s0 =	rddreg [dreg:$0x14]  }
0x115: {  	[hbm4b:s0+s1] =	stream.linear.scatter [tilespmem:s9], [sflag:$0x4], $0xA000, $0x38;
	[tilespmem:$0x1F038] =	vst v63  }
0x116: {  	s17 =	rddreg [dreg:$0x15]  }
0x117: {  	[hbm4b:s17+s1] =	stream.linear.scatter [tilespmem:s9], [sflag:$0x4], $0xA000, $0x38;
	[tilespmem:$0x1F038] =	vst v63  }
0x118: {  	_ =	swait.ge [sflag:s18], $0xA000  }
0x119: {  	[sflag:s18] =	ssyncset.done $0x0  }
0x11a: {  	[sflag:s18] =	ssyncadd.s32 $0xFFFF6000  }
0x11b: {  	_ =	swait.ge [sflag:s8], $0xA000  }
0x11c: {  	[sflag:s8] =	ssyncset.done $0x0  }
0x11d: {  	[sflag:s8] =	ssyncadd.s32 $0xFFFF6000  }
0x11e: {  	_ =	swait.ge [sflag:s8], $0xA000  }
0x11f: {  	[sflag:s8] =	ssyncset.done $0x0  }
0x120: {  	[sflag:s8] =	ssyncadd.s32 $0xFFFF6000  }
0x121: {  	[tilespmem:s14], [sflag:$0x3] =	stream.indirect.gather [spmem:s2], $0x80, s19, s13, $0xb8;
	[tilespmem:$0x1F038] =	vst v63  }
0x122: {  	s0 =	rddreg [dreg:$0x16]  }
0x123: {  	[hbm4b:s0+s1] =	stream.linear.scatter [tilespmem:s15], [sflag:$0x5], $0xA000, $0x38;
	[tilespmem:$0x1F038] =	vst v63  }
0x124: {  	_ = 	snop  }
0x125: {  	[hbm4b:s12+s1] =	stream.linear.scatter [tilespmem:s15], [sflag:$0x5], $0xA000, $0x38;
	[tilespmem:$0x1F038] =	vst v63  }
0x126: {  	_ =	swait.ge [sflag:s16], $0xA000  }
0x127: {  	[sflag:s16] =	ssyncset.done $0x0  }
0x128: {  	[sflag:s16] =	ssyncadd.s32 $0xFFFF6000  }
0x129: {  	_ =	swait.ge [sflag:s3], $0xA000  }
0x12a: {  	[sflag:s3] =	ssyncset.done $0x0  }
0x12b: {  	[sflag:s3] =	ssyncadd.s32 $0xFFFF6000  }
0x12c: {  	_ =	swait.ge [sflag:s3], $0xA000  }
0x12d: {  	[sflag:s3] =	ssyncset.done $0x0  }
0x12e: {  	s17 =	simm.s32 $0xB40;
	[sflag:s3] =	ssyncadd.s32 $0xFFFF6000  }
0x12f: {  	[tilespmem:s9], [sflag:$0x1] =	stream.indirect.gather [spmem:s2], $0x80, s17, s13, $0xb8;
	[tilespmem:$0x1F038] =	vst v63  }
0x130: {  	_ = 	snop  }
0x131: {  	[hbm4b:s6+s1] =	stream.linear.scatter [tilespmem:s14], [sflag:$0x6], $0xA000, $0x38;
	[tilespmem:$0x1F038] =	vst v63  }
0x132: {  	_ = 	snop  }
0x133: {  	[hbm4b:s7+s1] =	stream.linear.scatter [tilespmem:s14], [sflag:$0x6], $0xA000, $0x38;
	[tilespmem:$0x1F038] =	vst v63  }
0x134: {  	_ =	swait.ge [sflag:s10], $0xA000  }
0x135: {  	[sflag:s10] =	ssyncset.done $0x0  }
0x136: {  	[sflag:s10] =	ssyncadd.s32 $0xFFFF6000  }
0x137: {  	[hbm4b:s4+s1] =	stream.linear.scatter [tilespmem:s9], [sflag:$0x4], $0xA000, $0x38;
	[tilespmem:$0x1F038] =	vst v63  }
0x138: {  	_ = 	snop  }
0x139: {  	[hbm4b:s5+s1] =	stream.linear.scatter [tilespmem:s9], [sflag:$0x4], $0xA000, $0x38;
	[tilespmem:$0x1F038] =	vst v63  }
0x13a: {  	_ =	swait.ge [sflag:s11], $0xA000  }
0x13b: {  	[sflag:s11] =	ssyncset.done $0x0  }
0x13c: {  	[sflag:s11] =	ssyncadd.s32 $0xFFFF6000  }
0x13d: {  	_ =	swait.ge [sflag:s11], $0xA000  }
0x13e: {  	[sflag:s11] =	ssyncset.done $0x0  }
0x13f: {  	[sflag:s11] =	ssyncadd.s32 $0xFFFF6000  }
0x140: {  	_ =	swait.ge [sflag:s8], $0xA000  }
0x141: {  	[sflag:s8] =	ssyncset.done $0x0  }
0x142: {  	[sflag:s8] =	ssyncadd.s32 $0xFFFF6000  }
0x143: {  	_ =	swait.ge [sflag:s8], $0xA000  }
0x144: {  	s31 =	sadd.s32 $0xFFFFFFFF, s31;
	[sflag:s8] =	ssyncset.done $0x0  }
0x145: {  	p2 =	sne.s32 s31, $0x0;
	[sflag:s8] =	ssyncadd.s32 $0xFFFF6000  }
.Ltmp2:
0x146: {  	_ =	swait.ge [sflag:s3], $0xA000;
	(pc) =	sbr.rel @p2 .LBB2_4-.Ltmp2, $4  }
0x147: {  	[sflag:s3] =	ssyncset.done $0x0  }
0x148: {  	[sflag:s3] =	ssyncadd.s32 $0xFFFF6000  }
0x149: {  	_ =	swait.ge [sflag:s3], $0xA000  }
0x14a: {  	s0 =	rddreg [dreg:$0x6];
	[sflag:s3] =	ssyncset.done $0x0  }
0x14b: {  	s30 =	simm.s32 $0xB40;
	s29 =	rddreg [dreg:$0x5]  }
.LBB2_6:
0x14c: {  	[sflag:s3] =	ssyncadd.s32 @p1 $0xFFFF6000;
	s17 =	simm.s32 @!p0 $0x1C07  }
0x14d: {  	[spmem:s28], [sflag:s17] =	dma.local @!p0 [hbm:s0], $0x770  }
0x14e: {  	s0 =	simm.s32 @!p0 $0x7  }
0x14f: {  	_ =	swait.ge @!p0 [sflag:s0], $0x770  }
0x150: {  	[sflag:s0] =	ssyncset.done @!p0 $0x0  }
0x151: {  	s31 =	rddreg [dreg:$0x7];
	[sflag:s0] =	ssyncadd.s32 @!p0 $0xFFFFF890  }
0x152: {  	[tilespmem:s1], [sflag:$0x7] =	stream.linear.gather [hbm4b:s31+s1], $0xC80, $0x38;
	[tilespmem:$0x1F038] =	vst v63  }
0x153: {  	_ =	swait.ge [sflag:s26], $0xC80  }
0x154: {  	[sflag:s26] =	ssyncset.done $0x0  }
0x155: {  	[sflag:s26] =	ssyncadd.s32 $0xFFFFF380  }
0x156: {  	[bflag:$0x0] =	sbarrier.arrive $0xFFFF  }
0x157: {  	[tilespmem:s9], [sflag:$0x1] =	stream.indirect.gather [spmem:s2], $0x80, s1, s13, $0xb8;
	[tilespmem:$0x1F038] =	vst v63  }
0x158: {  	_ =	swait.ge [sflag:s10], $0xA000  }
0x159: {  	[sflag:s10] =	ssyncset.done $0x0  }
0x15a: {  	[sflag:s10] =	ssyncadd.s32 $0xFFFF6000  }
0x15b: {  	[tilespmem:s15], [sflag:$0x2] =	stream.indirect.gather [spmem:s2], $0x80, s13, s13, $0xb8;
	[tilespmem:$0x1F038] =	vst v63  }
0x15c: {  	s17 =	rddreg [dreg:$0x8]  }
0x15d: {  	[hbm4b:s17+s1] =	stream.linear.scatter [tilespmem:s9], [sflag:$0x4], $0xA000, $0x38;
	[tilespmem:$0x1F038] =	vst v63  }
0x15e: {  	s26 =	rddreg [dreg:$0x9]  }
0x15f: {  	[hbm4b:s26+s1] =	stream.linear.scatter [tilespmem:s9], [sflag:$0x4], $0xA000, $0x38;
	[tilespmem:$0x1F038] =	vst v63  }
0x160: {  	_ =	swait.ge [sflag:s18], $0xA000  }
0x161: {  	[sflag:s18] =	ssyncset.done $0x0  }
0x162: {  	[sflag:s18] =	ssyncadd.s32 $0xFFFF6000  }
0x163: {  	[tilespmem:s14], [sflag:$0x3] =	stream.indirect.gather [spmem:s2], $0x80, s25, s13, $0xb8;
	[tilespmem:$0x1F038] =	vst v63  }
0x164: {  	s28 =	rddreg [dreg:$0xa]  }
0x165: {  	[hbm4b:s28+s1] =	stream.linear.scatter [tilespmem:s15], [sflag:$0x5], $0xA000, $0x38;
	[tilespmem:$0x1F038] =	vst v63  }
0x166: {  	s31 =	rddreg [dreg:$0xb]  }
0x167: {  	[hbm4b:s31+s1] =	stream.linear.scatter [tilespmem:s15], [sflag:$0x5], $0xA000, $0x38;
	[tilespmem:$0x1F038] =	vst v63  }
0x168: {  	_ =	swait.ge [sflag:s16], $0xA000  }
0x169: {  	[sflag:s16] =	ssyncset.done $0x0  }
0x16a: {  	[sflag:s16] =	ssyncadd.s32 $0xFFFF6000  }
0x16b: {  	_ =	swait.ge [sflag:s3], $0xA000  }
0x16c: {  	[sflag:s3] =	ssyncset.done $0x0  }
0x16d: {  	[sflag:s3] =	ssyncadd.s32 $0xFFFF6000  }
0x16e: {  	_ =	swait.ge [sflag:s3], $0xA000  }
0x16f: {  	[sflag:s3] =	ssyncset.done $0x0  }
0x170: {  	[sflag:s3] =	ssyncadd.s32 $0xFFFF6000  }
0x171: {  	[tilespmem:s9], [sflag:$0x1] =	stream.indirect.gather [spmem:s2], $0x80, s24, s13, $0xb8;
	[tilespmem:$0x1F038] =	vst v63  }
0x172: {  	s25 =	rddreg [dreg:$0xc]  }
0x173: {  	[hbm4b:s25+s1] =	stream.linear.scatter [tilespmem:s14], [sflag:$0x6], $0xA000, $0x38;
	[tilespmem:$0x1F038] =	vst v63  }
0x174: {  	s26 =	rddreg [dreg:$0xd]  }
0x175: {  	[hbm4b:s26+s1] =	stream.linear.scatter [tilespmem:s14], [sflag:$0x6], $0xA000, $0x38;
	[tilespmem:$0x1F038] =	vst v63  }
0x176: {  	_ =	swait.ge [sflag:s10], $0xA000  }
0x177: {  	[sflag:s10] =	ssyncset.done $0x0  }
0x178: {  	[sflag:s10] =	ssyncadd.s32 $0xFFFF6000  }
0x179: {  	_ =	swait.ge [sflag:s11], $0xA000  }
0x17a: {  	[sflag:s11] =	ssyncset.done $0x0  }
0x17b: {  	[sflag:s11] =	ssyncadd.s32 $0xFFFF6000  }
0x17c: {  	_ =	swait.ge [sflag:s11], $0xA000  }
0x17d: {  	[sflag:s11] =	ssyncset.done $0x0  }
0x17e: {  	[sflag:s11] =	ssyncadd.s32 $0xFFFF6000  }
0x17f: {  	[tilespmem:s15], [sflag:$0x2] =	stream.indirect.gather [spmem:s2], $0x80, s23, s13, $0xb8;
	[tilespmem:$0x1F038] =	vst v63  }
0x180: {  	s28 =	rddreg [dreg:$0xe]  }
0x181: {  	[hbm4b:s28+s1] =	stream.linear.scatter [tilespmem:s9], [sflag:$0x4], $0xA000, $0x38;
	[tilespmem:$0x1F038] =	vst v63  }
0x182: {  	s31 =	rddreg [dreg:$0xf]  }
0x183: {  	[hbm4b:s31+s1] =	stream.linear.scatter [tilespmem:s9], [sflag:$0x4], $0xA000, $0x38;
	[tilespmem:$0x1F038] =	vst v63  }
0x184: {  	_ =	swait.ge [sflag:s18], $0xA000  }
0x185: {  	[sflag:s18] =	ssyncset.done $0x0  }
0x186: {  	[sflag:s18] =	ssyncadd.s32 $0xFFFF6000  }
0x187: {  	_ =	swait.ge [sflag:s8], $0xA000  }
0x188: {  	[sflag:s8] =	ssyncset.done $0x0  }
0x189: {  	[sflag:s8] =	ssyncadd.s32 $0xFFFF6000  }
0x18a: {  	_ =	swait.ge [sflag:s8], $0xA000  }
0x18b: {  	[sflag:s8] =	ssyncset.done $0x0  }
0x18c: {  	[sflag:s8] =	ssyncadd.s32 $0xFFFF6000  }
0x18d: {  	[tilespmem:s14], [sflag:$0x3] =	stream.indirect.gather [spmem:s2], $0x80, s22, s13, $0xb8;
	[tilespmem:$0x1F038] =	vst v63  }
0x18e: {  	s17 =	rddreg [dreg:$0x10]  }
0x18f: {  	[hbm4b:s17+s1] =	stream.linear.scatter [tilespmem:s15], [sflag:$0x5], $0xA000, $0x38;
	[tilespmem:$0x1F038] =	vst v63  }
0x190: {  	s23 =	rddreg [dreg:$0x11]  }
0x191: {  	[hbm4b:s23+s1] =	stream.linear.scatter [tilespmem:s15], [sflag:$0x5], $0xA000, $0x38;
	[tilespmem:$0x1F038] =	vst v63  }
0x192: {  	_ =	swait.ge [sflag:s16], $0xA000  }
0x193: {  	[sflag:s16] =	ssyncset.done $0x0  }
0x194: {  	[sflag:s16] =	ssyncadd.s32 $0xFFFF6000  }
0x195: {  	_ =	swait.ge [sflag:s3], $0xA000  }
0x196: {  	[sflag:s3] =	ssyncset.done $0x0  }
0x197: {  	[sflag:s3] =	ssyncadd.s32 $0xFFFF6000  }
0x198: {  	_ =	swait.ge [sflag:s3], $0xA000  }
0x199: {  	[sflag:s3] =	ssyncset.done $0x0  }
0x19a: {  	[sflag:s3] =	ssyncadd.s32 $0xFFFF6000  }
0x19b: {  	[tilespmem:s9], [sflag:$0x1] =	stream.indirect.gather [spmem:s2], $0x80, s21, s13, $0xb8;
	[tilespmem:$0x1F038] =	vst v63  }
0x19c: {  	s24 =	rddreg [dreg:$0x12]  }
0x19d: {  	[hbm4b:s24+s1] =	stream.linear.scatter [tilespmem:s14], [sflag:$0x6], $0xA000, $0x38;
	[tilespmem:$0x1F038] =	vst v63  }
0x19e: {  	s25 =	rddreg [dreg:$0x13]  }
0x19f: {  	[hbm4b:s25+s1] =	stream.linear.scatter [tilespmem:s14], [sflag:$0x6], $0xA000, $0x38;
	[tilespmem:$0x1F038] =	vst v63  }
0x1a0: {  	_ =	swait.ge [sflag:s10], $0xA000  }
0x1a1: {  	[sflag:s10] =	ssyncset.done $0x0  }
0x1a2: {  	[sflag:s10] =	ssyncadd.s32 $0xFFFF6000  }
0x1a3: {  	_ =	swait.ge [sflag:s11], $0xA000  }
0x1a4: {  	[sflag:s11] =	ssyncset.done $0x0  }
0x1a5: {  	[sflag:s11] =	ssyncadd.s32 $0xFFFF6000  }
0x1a6: {  	_ =	swait.ge [sflag:s11], $0xA000  }
0x1a7: {  	[sflag:s11] =	ssyncset.done $0x0  }
0x1a8: {  	[sflag:s11] =	ssyncadd.s32 $0xFFFF6000  }
0x1a9: {  	[tilespmem:s15], [sflag:$0x2] =	stream.indirect.gather [spmem:s2], $0x80, s20, s13, $0xb8;
	[tilespmem:$0x1F038] =	vst v63  }
0x1aa: {  	s26 =	rddreg [dreg:$0x14]  }
0x1ab: {  	[hbm4b:s26+s1] =	stream.linear.scatter [tilespmem:s9], [sflag:$0x4], $0xA000, $0x38;
	[tilespmem:$0x1F038] =	vst v63  }
0x1ac: {  	s28 =	rddreg [dreg:$0x15]  }
0x1ad: {  	[hbm4b:s28+s1] =	stream.linear.scatter [tilespmem:s9], [sflag:$0x4], $0xA000, $0x38;
	[tilespmem:$0x1F038] =	vst v63  }
0x1ae: {  	_ =	swait.ge [sflag:s18], $0xA000  }
0x1af: {  	[sflag:s18] =	ssyncset.done $0x0  }
0x1b0: {  	[sflag:s18] =	ssyncadd.s32 $0xFFFF6000  }
0x1b1: {  	_ =	swait.ge [sflag:s8], $0xA000  }
0x1b2: {  	[sflag:s8] =	ssyncset.done $0x0  }
0x1b3: {  	[sflag:s8] =	ssyncadd.s32 $0xFFFF6000  }
0x1b4: {  	_ =	swait.ge [sflag:s8], $0xA000  }
0x1b5: {  	[sflag:s8] =	ssyncset.done $0x0  }
0x1b6: {  	[sflag:s8] =	ssyncadd.s32 $0xFFFF6000  }
0x1b7: {  	[tilespmem:s14], [sflag:$0x3] =	stream.indirect.gather [spmem:s2], $0x80, s19, s13, $0xb8;
	[tilespmem:$0x1F038] =	vst v63  }
0x1b8: {  	s31 =	rddreg [dreg:$0x16]  }
0x1b9: {  	[hbm4b:s31+s1] =	stream.linear.scatter [tilespmem:s15], [sflag:$0x5], $0xA000, $0x38;
	[tilespmem:$0x1F038] =	vst v63  }
0x1ba: {  	_ = 	snop  }
0x1bb: {  	[hbm4b:s12+s1] =	stream.linear.scatter [tilespmem:s15], [sflag:$0x5], $0xA000, $0x38;
	[tilespmem:$0x1F038] =	vst v63  }
0x1bc: {  	_ =	swait.ge [sflag:s16], $0xA000  }
0x1bd: {  	[sflag:s16] =	ssyncset.done $0x0  }
0x1be: {  	[sflag:s16] =	ssyncadd.s32 $0xFFFF6000  }
0x1bf: {  	_ =	swait.ge [sflag:s3], $0xA000  }
0x1c0: {  	[sflag:s3] =	ssyncset.done $0x0  }
0x1c1: {  	[sflag:s3] =	ssyncadd.s32 $0xFFFF6000  }
0x1c2: {  	_ =	swait.ge [sflag:s3], $0xA000  }
0x1c3: {  	[sflag:s3] =	ssyncset.done $0x0  }
0x1c4: {  	[sflag:s3] =	ssyncadd.s32 $0xFFFF6000  }
0x1c5: {  	[tilespmem:s9], [sflag:$0x1] =	stream.indirect.gather [spmem:s2], $0x80, s30, s13, $0xb8;
	[tilespmem:$0x1F038] =	vst v63  }
0x1c6: {  	_ = 	snop  }
0x1c7: {  	[hbm4b:s6+s1] =	stream.linear.scatter [tilespmem:s14], [sflag:$0x6], $0xA000, $0x38;
	[tilespmem:$0x1F038] =	vst v63  }
0x1c8: {  	_ = 	snop  }
0x1c9: {  	[hbm4b:s7+s1] =	stream.linear.scatter [tilespmem:s14], [sflag:$0x6], $0xA000, $0x38;
	[tilespmem:$0x1F038] =	vst v63  }
0x1ca: {  	_ =	swait.ge [sflag:s10], $0xA000  }
0x1cb: {  	[sflag:s10] =	ssyncset.done $0x0  }
0x1cc: {  	[sflag:s10] =	ssyncadd.s32 $0xFFFF6000  }
0x1cd: {  	[hbm4b:s4+s1] =	stream.linear.scatter [tilespmem:s9], [sflag:$0x4], $0xA000, $0x38;
	[tilespmem:$0x1F038] =	vst v63  }
0x1ce: {  	_ = 	snop  }
0x1cf: {  	[hbm4b:s5+s1] =	stream.linear.scatter [tilespmem:s9], [sflag:$0x4], $0xA000, $0x38;
	[tilespmem:$0x1F038] =	vst v63  }
0x1d0: {  	_ =	swait.ge [sflag:s11], $0xA000  }
0x1d1: {  	[sflag:s11] =	ssyncset.done $0x0  }
0x1d2: {  	[sflag:s11] =	ssyncadd.s32 $0xFFFF6000  }
0x1d3: {  	_ =	swait.ge [sflag:s11], $0xA000  }
0x1d4: {  	[sflag:s11] =	ssyncset.done $0x0  }
0x1d5: {  	[sflag:s11] =	ssyncadd.s32 $0xFFFF6000  }
0x1d6: {  	_ =	swait.ge [sflag:s8], $0xA000  }
0x1d7: {  	[sflag:s8] =	ssyncset.done $0x0  }
0x1d8: {  	[sflag:s8] =	ssyncadd.s32 $0xFFFF6000  }
0x1d9: {  	_ =	swait.ge [sflag:s8], $0xA000  }
0x1da: {  	[sflag:s8] =	ssyncset.done $0x0  }
0x1db: {  	[sflag:s8] =	ssyncadd.s32 $0xFFFF6000  }
0x1dc: {  	_ =	swait.ge [sflag:s3], $0xA000  }
0x1dd: {  	[sflag:s3] =	ssyncset.done $0x0  }
0x1de: {  	[sflag:s3] =	ssyncadd.s32 $0xFFFF6000  }
0x1df: {  	_ =	swait.ge [sflag:s3], $0xA000  }
0x1e0: {  	[sflag:s3] =	ssyncset.done $0x0  }
0x1e1: {  	[sflag:s3] =	ssyncadd.s32 $0xFFFF6000  }
0x1e2: {  	_ =	sfence.sel $0x180000  }
0x1e3: {  	[bflag:$0x0] =	sbarrier.arrive $0xFFFF  }
0x1e4: {  	_ =	strace $0x90000047  }
0x1e5: {  	s0 =	sadd.s32 @!p0 $0x100000, s29;
	[bflag:$0x2] =	sbarrier.arrive $0xFFFF  }
0x1e6: {  	[sflag:s0] =	ssyncadd.tile.s32 @!p0 $0x1;
	_ =	shalt  }
.LBB2_1:
.Ltmp3:
0x1e7: {  	(pc) =	sbr.rel .LBB2_6-.Ltmp3, $2  }
0x1e8: {  	_ =	sdelay $0x2  }
0x1e9: {  	s30 =	simm.s32 $0xB40  }
.LBB2_3:
.Ltmp4:
0x1ea: {  	(pc) =	sbr.rel .LBB2_6-.Ltmp4, $2  }
0x1eb: {  	_ =	sdelay $0x2  }
0x1ec: {  	s30 =	simm.s32 $0xB40;
	s29 =	rddreg [dreg:$0x5]  }
.Lfunc_end2:
_tile_overlayer_lowered:
.L_overlay_start_2:
0x1ed: {  	(tag) =	ssettag $0x2  }
0x1ee: {  	s0 =	rddreg [dreg:$0x0];
	s2 =	stileid.u32  }
0x1ef: {  	s1 =	rddreg [dreg:$0x1];
	p0 =	sne.s32 s2, $0x0  }
0x1f0: {  	s3 =	rddreg [dreg:$0x2];
	[bflag:$0x3] =	sbarrier.arrive $0xFFFF;
	s2 =	simm.s32 @!p0 $0x1C07  }
0x1f1: {  	[timem:s3], [sflag:s2] =	dma.local @!p0 [hbm:s0], s1  }
0x1f2: {  	s0 =	simm.s32 @!p0 $0x7  }
0x1f3: {  	_ =	swait.ge @!p0 [sflag:s0], s1  }
0x1f4: {  	s1 =	ssub.s32 @!p0 $0x0, s1;
	[sflag:s0] =	ssyncset.done @!p0 $0x0  }
0x1f5: {  	[sflag:s0] =	ssyncadd.s32 @!p0 s1  }
0x1f6: {  	[bflag:$0x3] =	sbarrier.arrive $0xFFFF  }
0x1f7: {  	_ =	shalt  }

</sc_bundles>
